<compile_context>
chip_gen: v7x
topology: tpu7x:2x2x1
jax: 0.10.2.dev20260603
libtpu: 0.0.44.dev20260713+nightly
codegen_flags: <defaults>
</compile_context>

<pallas_src>
import jax
import jax.numpy as jnp
from jax import lax
from jax.experimental import pallas as pl
from jax.experimental.pallas import tpu as pltpu
from jax.experimental.pallas import tpu_sc as plsc

B, C, H, W = 4, 96, 112, 112
OH, OW = 224, 224
N = B * C
HW = H * W
S = OH * OW
LANES = 16
NC, NS = 2, 16
NWORKERS = NC * NS
PAIRS_PER_W = N // NWORKERS
CH = 6272
NCHUNK = S // CH
VEC_PER_CHUNK = CH // LANES

_EPS = 1e-8


def _rsqrt(s):
    i = jnp.int32(0x5F3759DF) - (lax.bitcast_convert_type(s, jnp.int32) >> 1)
    z = lax.bitcast_convert_type(i, jnp.float32)
    for _ in range(3):
        z = z * (1.5 - 0.5 * s * z * z)
    return z


def _div7(u):
    return (u * 9363) >> 16


def _sc_body(x_hbm, y_hbm, mag_hbm, outr_hbm, outi_hbm,
             ur_v, ui_v, mag_v, outr_v, outi_v):
    wid = lax.axis_index("s") * NC + lax.axis_index("c")
    lane = lax.iota(jnp.int32, LANES)

    def pair_body(k, _):
        pr = wid * PAIRS_PER_W + k
        pltpu.sync_copy(x_hbm.at[pl.ds(pr * HW, HW)], ur_v)
        pltpu.sync_copy(y_hbm.at[pl.ds(pr * HW, HW)], ui_v)

        def phasor_body(i, _):
            ds = pl.ds(i * LANES, LANES)
            x = ur_v[ds]
            y = ui_v[ds]
            yc = jnp.where((y < _EPS) & (y > -_EPS), _EPS, y)
            z = _rsqrt(x * x + yc * yc)
            ur_v[ds] = x * z
            ui_v[ds] = yc * z
            return ()

        lax.fori_loop(0, HW // LANES, phasor_body, (), unroll=4)

        def chunk_body(cc, _):
            cbase = pr * S + cc * CH
            pltpu.sync_copy(mag_hbm.at[pl.ds(cbase, CH)], mag_v)

            def vec_body(j, _):
                base = j * LANES
                t = cc * CH + base + lane
                oh2 = _div7(t >> 6)
                v = t >> 1
                vm = v - 112 * _div7(v >> 4)
                p = oh2 * 112 + vm
                gr = plsc.load_gather(ur_v, [p])
                gi = plsc.load_gather(ui_v, [p])
                mg = mag_v[pl.ds(base, LANES)]
                outr_v[pl.ds(base, LANES)] = mg * gr
                outi_v[pl.ds(base, LANES)] = mg * gi
                return ()

            lax.fori_loop(0, VEC_PER_CHUNK, vec_body, (), unroll=4)
            pltpu.sync_copy(outr_v, outr_hbm.at[pl.ds(cbase, CH)])
            pltpu.sync_copy(outi_v, outi_hbm.at[pl.ds(cbase, CH)])
            return ()

        lax.fori_loop(0, NCHUNK, chunk_body, ())
        return ()

    lax.fori_loop(0, PAIRS_PER_W, pair_body, ())


@jax.jit
def _phase_mul(x, y, mag):
    f = pl.kernel(
        _sc_body,
        out_type=[
            jax.ShapeDtypeStruct((N * S,), jnp.float32),
            jax.ShapeDtypeStruct((N * S,), jnp.float32),
        ],
        mesh=plsc.VectorSubcoreMesh(core_axis_name="c", subcore_axis_name="s"),
        compiler_params=pltpu.CompilerParams(needs_layout_passes=False),
        scratch_types=[
            pltpu.VMEM((HW,), jnp.float32),
            pltpu.VMEM((HW,), jnp.float32),
            pltpu.VMEM((CH,), jnp.float32),
            pltpu.VMEM((CH,), jnp.float32),
            pltpu.VMEM((CH,), jnp.float32),
        ],
    )
    return f(x, y, mag)


def kernel(x_real, x_imag, index, out_shape):
    m = jnp.sqrt(x_real * x_real + x_imag * x_imag).reshape(B, C, HW)
    idx = index.reshape(B, C, HW)
    bi = jnp.arange(B)[:, None, None]
    ci = jnp.arange(C)[None, :, None]
    mag = jnp.zeros((B, C, S), dtype=jnp.float32).at[bi, ci, idx].set(m)

    outr, outi = _phase_mul(
        x_real.reshape(N * HW), x_imag.reshape(N * HW), mag.reshape(N * S)
    )
    return lax.complex(outr, outi).reshape(B, C, OH, OW)

# --- scband reference (transcript-rebuilt; emitter-appended) ---
"""Pipeline reference for scband-complex-max-unpool2d-45243185496444 (READ-ONLY COPY).

The authoritative reference and input builder live on the scoring server;
editing this copy changes nothing except your own understanding.
"""

import jax, jax.numpy as jnp
import numpy as np

B, C, H, W = 4, 96, 112, 112
OH, OW = 224, 224


def stable_angle(real, imag, eps=1e-8):
    # Faithful to stable_angle: clamp imaginary part away from 0 before angle()
    imag_c = jnp.where((imag < eps) & (imag > -eps), eps, imag)
    return jnp.arctan2(imag_c, real)


def setup_inputs(seed: int = 0) -> dict:
    key = jax.random.key(seed)
    k1, k2, k3 = jax.random.split(key, 3)
    x_real = jax.random.normal(k1, (B, C, H, W), dtype=jnp.float32)
    x_imag = jax.random.normal(k2, (B, C, H, W), dtype=jnp.float32)
    index = jax.random.randint(k3, (B, C, H, W), 0, OH * OW)
    return {"x_real": x_real, "x_imag": x_imag, "index": index, "out_shape": (OH, OW)}


def reference(x_real, x_imag, index, out_shape):
    b, c, h, w = x_real.shape
    oh, ow = out_shape
    # magnitude of complex input, flattened over spatial dims
    m = jnp.sqrt(x_real * x_real + x_imag * x_imag).reshape(b, c, h * w)
    idx = index.reshape(b, c, h * w)
    bi = jnp.arange(b)[:, None, None]
    ci = jnp.arange(c)[None, :, None]
    # scatter (overwrite) magnitudes into zero-initialized output buffer (MaxUnpool2d)
    mag = jnp.zeros((b, c, OH * OW), dtype=jnp.float32).at[bi, ci, idx].set(m)
    mag = mag.reshape(b, c, OH, OW)
    # phase via stable angle, then nearest-neighbor upsample to out_shape
    phase = stable_angle(x_real, x_imag)
    sh = (jnp.arange(OH) * h) // oh
    sw = (jnp.arange(OW) * w) // ow
    phase_up = phase[:, :, sh[:, None], sw[None, :]]
    # get_complex_number(magnitude, phase) = magnitude * exp(1j * phase)
    return mag * jnp.exp(1j * phase_up)

if __name__ == "__main__":
    import jax
    _d = setup_inputs()
    print(jax.jit(kernel)(*tuple(_d.values())))

</pallas_src>

<mosaic_0001>
#map = affine_map<(d0, d1) -> (0)>
module attributes {stable_mosaic.version = 14 : i64} {
  func.func @_sc_body(%arg0: i32, %arg1: i32, %arg2: memref<4816896xf32, #tpu.memory_space<hbm>>, %arg3: memref<4816896xf32, #tpu.memory_space<hbm>>, %arg4: memref<19267584xf32, #tpu.memory_space<hbm>>, %arg5: memref<19267584xf32, #tpu.memory_space<hbm>>, %arg6: memref<19267584xf32, #tpu.memory_space<hbm>>, %arg7: memref<12544xf32, #tpu.memory_space<vmem>>, %arg8: memref<12544xf32, #tpu.memory_space<vmem>>, %arg9: memref<6272xf32, #tpu.memory_space<vmem>>, %arg10: memref<6272xf32, #tpu.memory_space<vmem>>, %arg11: memref<6272xf32, #tpu.memory_space<vmem>>) attributes {dimension_semantics = [#tpu.dimension_semantics<core_parallel>, #tpu.dimension_semantics<subcore_parallel>], iteration_bounds = array<i64: 2, 16>, scalar_prefetch = 0 : i64, scratch_operands = 5 : i64, tpu.core_type = #tpu.core_type<sc_vector_subcore>, window_params = [{transform_indices = #map}, {transform_indices = #map}, {transform_indices = #map}, {transform_indices = #map}, {transform_indices = #map}]} {
    %mul3A = arith.constant 2 : i32
    %mul3A_0 = arith.muli %arg1, %mul3A : i32
    %add3A = arith.addi %mul3A_0, %arg0 : i32
    %iota3A = tpu.iota {dimensions = array<i32: 0>} : vector<16xi32>
    %scan3A = arith.constant 0 : i32
    %scan3A_1 = arith.constant 12 : i32
    %scan3A_2 = arith.addi %scan3A, %scan3A_1 : i32
    %scan3A_3 = arith.constant 1 : i32
    scf.for %scan3A_5 = %scan3A to %scan3A_2 step %scan3A_3  : i32 {
      %mul3A_6 = arith.constant 12 : i32
      %mul3A_7 = arith.muli %add3A, %mul3A_6 : i32
      %add3A_8 = arith.addi %mul3A_7, %scan3A_5 : i32
      %mul3A_9 = arith.constant 12544 : i32
      %mul3A_10 = arith.muli %add3A_8, %mul3A_9 : i32
      "tpu.region"() ({
        %run_scoped3A = tpu.sem_alloc : memref<!tpu.dma_semaphore, #tpu.memory_space<semaphore_mem>>
        %dma_start3A = tpu.memref_slice %arg2[%mul3A_10] : memref<4816896xf32, #tpu.memory_space<hbm>> -> memref<12544xf32, #tpu.memory_space<hbm>>
        %dma_start3A_23 = tpu.memref_slice %arg2[%mul3A_10] : memref<4816896xf32, #tpu.memory_space<hbm>> -> memref<12544xf32, #tpu.memory_space<hbm>>
        tpu.enqueue_dma source(%dma_start3A_23 : memref<12544xf32, #tpu.memory_space<hbm>>) target(%arg7 : memref<12544xf32, #tpu.memory_space<vmem>>) target_semaphore(%run_scoped3A : memref<!tpu.dma_semaphore, #tpu.memory_space<semaphore_mem>>)
        %dma_wait3A = tpu.memref_slice %arg2[%mul3A_10] : memref<4816896xf32, #tpu.memory_space<hbm>> -> memref<12544xf32, #tpu.memory_space<hbm>>
        %dma_wait3A_24 = tpu.memref_slice %arg2[%mul3A_10] : memref<4816896xf32, #tpu.memory_space<hbm>> -> memref<12544xf32, #tpu.memory_space<hbm>>
        tpu.wait_dma2 semaphore(%run_scoped3A : memref<!tpu.dma_semaphore, #tpu.memory_space<semaphore_mem>>) src(%dma_wait3A_24 : memref<12544xf32, #tpu.memory_space<hbm>>) dst(%arg7 : memref<12544xf32, #tpu.memory_space<vmem>>)
        tpu.yield
      }) : () -> ()
      %mul3A_11 = arith.constant 12544 : i32
      %mul3A_12 = arith.muli %add3A_8, %mul3A_11 : i32
      "tpu.region"() ({
        %run_scoped3A = tpu.sem_alloc : memref<!tpu.dma_semaphore, #tpu.memory_space<semaphore_mem>>
        %dma_start3A = tpu.memref_slice %arg3[%mul3A_12] : memref<4816896xf32, #tpu.memory_space<hbm>> -> memref<12544xf32, #tpu.memory_space<hbm>>
        %dma_start3A_23 = tpu.memref_slice %arg3[%mul3A_12] : memref<4816896xf32, #tpu.memory_space<hbm>> -> memref<12544xf32, #tpu.memory_space<hbm>>
        tpu.enqueue_dma source(%dma_start3A_23 : memref<12544xf32, #tpu.memory_space<hbm>>) target(%arg8 : memref<12544xf32, #tpu.memory_space<vmem>>) target_semaphore(%run_scoped3A : memref<!tpu.dma_semaphore, #tpu.memory_space<semaphore_mem>>)
        %dma_wait3A = tpu.memref_slice %arg3[%mul3A_12] : memref<4816896xf32, #tpu.memory_space<hbm>> -> memref<12544xf32, #tpu.memory_space<hbm>>
        %dma_wait3A_24 = tpu.memref_slice %arg3[%mul3A_12] : memref<4816896xf32, #tpu.memory_space<hbm>> -> memref<12544xf32, #tpu.memory_space<hbm>>
        tpu.wait_dma2 semaphore(%run_scoped3A : memref<!tpu.dma_semaphore, #tpu.memory_space<semaphore_mem>>) src(%dma_wait3A_24 : memref<12544xf32, #tpu.memory_space<hbm>>) dst(%arg8 : memref<12544xf32, #tpu.memory_space<vmem>>)
        tpu.yield
      }) : () -> ()
      %scan3A_13 = arith.constant 0 : i32
      %scan3A_14 = arith.constant 784 : i32
      %scan3A_15 = arith.addi %scan3A_13, %scan3A_14 : i32
      %scan3A_16 = arith.constant 4 : i32
      scf.for %scan3A_23 = %scan3A_13 to %scan3A_15 step %scan3A_16  : i32 {
        %mul3A_24 = arith.constant 16 : i32
        %mul3A_25 = arith.muli %scan3A_23, %mul3A_24 : i32
        %get3A = arith.index_cast %mul3A_25 : i32 to index
        %get3A_26 = tpu.vector_load %arg7[%get3A] {strides = array<i32>} : memref<12544xf32, #tpu.memory_space<vmem>>, vector<16xf32>,
        %get3A_27 = arith.index_cast %mul3A_25 : i32 to index
        %get3A_28 = tpu.vector_load %arg8[%get3A_27] {strides = array<i32>} : memref<12544xf32, #tpu.memory_space<vmem>>, vector<16xf32>,
        %lt3A = arith.constant 9.99999993E-9 : f32
        %lt3A_29 = vector.broadcast %lt3A : f32 to vector<16xf32>
        %lt3A_30 = arith.cmpf olt, %get3A_28, %lt3A_29 : vector<16xf32>
        %gt3A = arith.constant -9.99999993E-9 : f32
        %gt3A_31 = vector.broadcast %gt3A : f32 to vector<16xf32>
        %gt3A_32 = arith.cmpf ogt, %get3A_28, %gt3A_31 : vector<16xf32>
        %and3A = arith.andi %lt3A_30, %gt3A_32 : vector<16xi1>
        %jit3A = arith.constant 9.99999993E-9 : f32
        %broadcast_in_dim3A = vector.broadcast %jit3A : f32 to vector<16xf32>
        %select_n3A = arith.select %and3A, %broadcast_in_dim3A, %get3A_28 : vector<16xi1>, vector<16xf32>
        %mul3A_33 = arith.mulf %get3A_26, %get3A_26 : vector<16xf32>
        %mul3A_34 = arith.mulf %select_n3A, %select_n3A : vector<16xf32>
        %add3A_35 = arith.addf %mul3A_33, %mul3A_34 : vector<16xf32>
        %bitcast_convert_type3A = tpu.bitcast %add3A_35 : vector<16xf32> -> vector<16xi32>
        %shift_right_arithmetic3A = arith.constant 1 : i32
        %shift_right_arithmetic3A_36 = vector.broadcast %shift_right_arithmetic3A : i32 to vector<16xi32>
        %shift_right_arithmetic3A_37 = arith.shrsi %bitcast_convert_type3A, %shift_right_arithmetic3A_36 : vector<16xi32>
        %sub3A = arith.constant 1597463007 : i32
        %sub3A_38 = vector.broadcast %sub3A : i32 to vector<16xi32>
        %sub3A_39 = arith.subi %sub3A_38, %shift_right_arithmetic3A_37 : vector<16xi32>
        %bitcast_convert_type3A_40 = tpu.bitcast %sub3A_39 : vector<16xi32> -> vector<16xf32>
        %mul3A_41 = arith.constant 5.000000e-01 : f32
        %mul3A_42 = vector.broadcast %mul3A_41 : f32 to vector<16xf32>
        %mul3A_43 = arith.mulf %mul3A_42, %add3A_35 : vector<16xf32>
        %mul3A_44 = arith.mulf %mul3A_43, %bitcast_convert_type3A_40 : vector<16xf32>
        %mul3A_45 = arith.mulf %mul3A_44, %bitcast_convert_type3A_40 : vector<16xf32>
        %sub3A_46 = arith.constant 1.500000e+00 : f32
        %sub3A_47 = vector.broadcast %sub3A_46 : f32 to vector<16xf32>
        %sub3A_48 = arith.subf %sub3A_47, %mul3A_45 : vector<16xf32>
        %mul3A_49 = arith.mulf %bitcast_convert_type3A_40, %sub3A_48 : vector<16xf32>
        %mul3A_50 = arith.constant 5.000000e-01 : f32
        %mul3A_51 = vector.broadcast %mul3A_50 : f32 to vector<16xf32>
        %mul3A_52 = arith.mulf %mul3A_51, %add3A_35 : vector<16xf32>
        %mul3A_53 = arith.mulf %mul3A_52, %mul3A_49 : vector<16xf32>
        %mul3A_54 = arith.mulf %mul3A_53, %mul3A_49 : vector<16xf32>
        %sub3A_55 = arith.constant 1.500000e+00 : f32
        %sub3A_56 = vector.broadcast %sub3A_55 : f32 to vector<16xf32>
        %sub3A_57 = arith.subf %sub3A_56, %mul3A_54 : vector<16xf32>
        %mul3A_58 = arith.mulf %mul3A_49, %sub3A_57 : vector<16xf32>
        %mul3A_59 = arith.constant 5.000000e-01 : f32
        %mul3A_60 = vector.broadcast %mul3A_59 : f32 to vector<16xf32>
        %mul3A_61 = arith.mulf %mul3A_60, %add3A_35 : vector<16xf32>
        %mul3A_62 = arith.mulf %mul3A_61, %mul3A_58 : vector<16xf32>
        %mul3A_63 = arith.mulf %mul3A_62, %mul3A_58 : vector<16xf32>
        %sub3A_64 = arith.constant 1.500000e+00 : f32
        %sub3A_65 = vector.broadcast %sub3A_64 : f32 to vector<16xf32>
        %sub3A_66 = arith.subf %sub3A_65, %mul3A_63 : vector<16xf32>
        %mul3A_67 = arith.mulf %mul3A_58, %sub3A_66 : vector<16xf32>
        %mul3A_68 = arith.mulf %get3A_26, %mul3A_67 : vector<16xf32>
        %swap3A = arith.index_cast %mul3A_25 : i32 to index
        %swap3A_69 = tpu.vector_load %arg7[%swap3A] {strides = array<i32>} : memref<12544xf32, #tpu.memory_space<vmem>>, vector<16xf32>,
        tpu.vector_store %arg7[%swap3A], %mul3A_68 {strides = array<i32>} : memref<12544xf32, #tpu.memory_space<vmem>>, vector<16xf32>,
        %mul3A_70 = arith.mulf %select_n3A, %mul3A_67 : vector<16xf32>
        %swap3A_71 = arith.index_cast %mul3A_25 : i32 to index
        %swap3A_72 = tpu.vector_load %arg8[%swap3A_71] {strides = array<i32>} : memref<12544xf32, #tpu.memory_space<vmem>>, vector<16xf32>,
        tpu.vector_store %arg8[%swap3A_71], %mul3A_70 {strides = array<i32>} : memref<12544xf32, #tpu.memory_space<vmem>>, vector<16xf32>,
        %scan3A_73 = arith.constant 1 : i32
        %scan3A_74 = arith.addi %scan3A_23, %scan3A_73 : i32
        %mul3A_75 = arith.constant 16 : i32
        %mul3A_76 = arith.muli %scan3A_74, %mul3A_75 : i32
        %get3A_77 = arith.index_cast %mul3A_76 : i32 to index
        %get3A_78 = tpu.vector_load %arg7[%get3A_77] {strides = array<i32>} : memref<12544xf32, #tpu.memory_space<vmem>>, vector<16xf32>,
        %get3A_79 = arith.index_cast %mul3A_76 : i32 to index
        %get3A_80 = tpu.vector_load %arg8[%get3A_79] {strides = array<i32>} : memref<12544xf32, #tpu.memory_space<vmem>>, vector<16xf32>,
        %lt3A_81 = arith.constant 9.99999993E-9 : f32
        %lt3A_82 = vector.broadcast %lt3A_81 : f32 to vector<16xf32>
        %lt3A_83 = arith.cmpf olt, %get3A_80, %lt3A_82 : vector<16xf32>
        %gt3A_84 = arith.constant -9.99999993E-9 : f32
        %gt3A_85 = vector.broadcast %gt3A_84 : f32 to vector<16xf32>
        %gt3A_86 = arith.cmpf ogt, %get3A_80, %gt3A_85 : vector<16xf32>
        %and3A_87 = arith.andi %lt3A_83, %gt3A_86 : vector<16xi1>
        %jit3A_88 = arith.constant 9.99999993E-9 : f32
        %broadcast_in_dim3A_89 = vector.broadcast %jit3A_88 : f32 to vector<16xf32>
        %select_n3A_90 = arith.select %and3A_87, %broadcast_in_dim3A_89, %get3A_80 : vector<16xi1>, vector<16xf32>
        %mul3A_91 = arith.mulf %get3A_78, %get3A_78 : vector<16xf32>
        %mul3A_92 = arith.mulf %select_n3A_90, %select_n3A_90 : vector<16xf32>
        %add3A_93 = arith.addf %mul3A_91, %mul3A_92 : vector<16xf32>
        %bitcast_convert_type3A_94 = tpu.bitcast %add3A_93 : vector<16xf32> -> vector<16xi32>
        %shift_right_arithmetic3A_95 = arith.constant 1 : i32
        %shift_right_arithmetic3A_96 = vector.broadcast %shift_right_arithmetic3A_95 : i32 to vector<16xi32>
        %shift_right_arithmetic3A_97 = arith.shrsi %bitcast_convert_type3A_94, %shift_right_arithmetic3A_96 : vector<16xi32>
        %sub3A_98 = arith.constant 1597463007 : i32
        %sub3A_99 = vector.broadcast %sub3A_98 : i32 to vector<16xi32>
        %sub3A_100 = arith.subi %sub3A_99, %shift_right_arithmetic3A_97 : vector<16xi32>
        %bitcast_convert_type3A_101 = tpu.bitcast %sub3A_100 : vector<16xi32> -> vector<16xf32>
        %mul3A_102 = arith.constant 5.000000e-01 : f32
        %mul3A_103 = vector.broadcast %mul3A_102 : f32 to vector<16xf32>
        %mul3A_104 = arith.mulf %mul3A_103, %add3A_93 : vector<16xf32>
        %mul3A_105 = arith.mulf %mul3A_104, %bitcast_convert_type3A_101 : vector<16xf32>
        %mul3A_106 = arith.mulf %mul3A_105, %bitcast_convert_type3A_101 : vector<16xf32>
        %sub3A_107 = arith.constant 1.500000e+00 : f32
        %sub3A_108 = vector.broadcast %sub3A_107 : f32 to vector<16xf32>
        %sub3A_109 = arith.subf %sub3A_108, %mul3A_106 : vector<16xf32>
        %mul3A_110 = arith.mulf %bitcast_convert_type3A_101, %sub3A_109 : vector<16xf32>
        %mul3A_111 = arith.constant 5.000000e-01 : f32
        %mul3A_112 = vector.broadcast %mul3A_111 : f32 to vector<16xf32>
        %mul3A_113 = arith.mulf %mul3A_112, %add3A_93 : vector<16xf32>
        %mul3A_114 = arith.mulf %mul3A_113, %mul3A_110 : vector<16xf32>
        %mul3A_115 = arith.mulf %mul3A_114, %mul3A_110 : vector<16xf32>
        %sub3A_116 = arith.constant 1.500000e+00 : f32
        %sub3A_117 = vector.broadcast %sub3A_116 : f32 to vector<16xf32>
        %sub3A_118 = arith.subf %sub3A_117, %mul3A_115 : vector<16xf32>
        %mul3A_119 = arith.mulf %mul3A_110, %sub3A_118 : vector<16xf32>
        %mul3A_120 = arith.constant 5.000000e-01 : f32
        %mul3A_121 = vector.broadcast %mul3A_120 : f32 to vector<16xf32>
        %mul3A_122 = arith.mulf %mul3A_121, %add3A_93 : vector<16xf32>
        %mul3A_123 = arith.mulf %mul3A_122, %mul3A_119 : vector<16xf32>
        %mul3A_124 = arith.mulf %mul3A_123, %mul3A_119 : vector<16xf32>
        %sub3A_125 = arith.constant 1.500000e+00 : f32
        %sub3A_126 = vector.broadcast %sub3A_125 : f32 to vector<16xf32>
        %sub3A_127 = arith.subf %sub3A_126, %mul3A_124 : vector<16xf32>
        %mul3A_128 = arith.mulf %mul3A_119, %sub3A_127 : vector<16xf32>
        %mul3A_129 = arith.mulf %get3A_78, %mul3A_128 : vector<16xf32>
        %swap3A_130 = arith.index_cast %mul3A_76 : i32 to index
        %swap3A_131 = tpu.vector_load %arg7[%swap3A_130] {strides = array<i32>} : memref<12544xf32, #tpu.memory_space<vmem>>, vector<16xf32>,
        tpu.vector_store %arg7[%swap3A_130], %mul3A_129 {strides = array<i32>} : memref<12544xf32, #tpu.memory_space<vmem>>, vector<16xf32>,
        %mul3A_132 = arith.mulf %select_n3A_90, %mul3A_128 : vector<16xf32>
        %swap3A_133 = arith.index_cast %mul3A_76 : i32 to index
        %swap3A_134 = tpu.vector_load %arg8[%swap3A_133] {strides = array<i32>} : memref<12544xf32, #tpu.memory_space<vmem>>, vector<16xf32>,
        tpu.vector_store %arg8[%swap3A_133], %mul3A_132 {strides = array<i32>} : memref<12544xf32, #tpu.memory_space<vmem>>, vector<16xf32>,
        %scan3A_135 = arith.constant 2 : i32
        %scan3A_136 = arith.addi %scan3A_23, %scan3A_135 : i32
        %mul3A_137 = arith.constant 16 : i32
        %mul3A_138 = arith.muli %scan3A_136, %mul3A_137 : i32
        %get3A_139 = arith.index_cast %mul3A_138 : i32 to index
        %get3A_140 = tpu.vector_load %arg7[%get3A_139] {strides = array<i32>} : memref<12544xf32, #tpu.memory_space<vmem>>, vector<16xf32>,
        %get3A_141 = arith.index_cast %mul3A_138 : i32 to index
        %get3A_142 = tpu.vector_load %arg8[%get3A_141] {strides = array<i32>} : memref<12544xf32, #tpu.memory_space<vmem>>, vector<16xf32>,
        %lt3A_143 = arith.constant 9.99999993E-9 : f32
        %lt3A_144 = vector.broadcast %lt3A_143 : f32 to vector<16xf32>
        %lt3A_145 = arith.cmpf olt, %get3A_142, %lt3A_144 : vector<16xf32>
        %gt3A_146 = arith.constant -9.99999993E-9 : f32
        %gt3A_147 = vector.broadcast %gt3A_146 : f32 to vector<16xf32>
        %gt3A_148 = arith.cmpf ogt, %get3A_142, %gt3A_147 : vector<16xf32>
        %and3A_149 = arith.andi %lt3A_145, %gt3A_148 : vector<16xi1>
        %jit3A_150 = arith.constant 9.99999993E-9 : f32
        %broadcast_in_dim3A_151 = vector.broadcast %jit3A_150 : f32 to vector<16xf32>
        %select_n3A_152 = arith.select %and3A_149, %broadcast_in_dim3A_151, %get3A_142 : vector<16xi1>, vector<16xf32>
        %mul3A_153 = arith.mulf %get3A_140, %get3A_140 : vector<16xf32>
        %mul3A_154 = arith.mulf %select_n3A_152, %select_n3A_152 : vector<16xf32>
        %add3A_155 = arith.addf %mul3A_153, %mul3A_154 : vector<16xf32>
        %bitcast_convert_type3A_156 = tpu.bitcast %add3A_155 : vector<16xf32> -> vector<16xi32>
        %shift_right_arithmetic3A_157 = arith.constant 1 : i32
        %shift_right_arithmetic3A_158 = vector.broadcast %shift_right_arithmetic3A_157 : i32 to vector<16xi32>
        %shift_right_arithmetic3A_159 = arith.shrsi %bitcast_convert_type3A_156, %shift_right_arithmetic3A_158 : vector<16xi32>
        %sub3A_160 = arith.constant 1597463007 : i32
        %sub3A_161 = vector.broadcast %sub3A_160 : i32 to vector<16xi32>
        %sub3A_162 = arith.subi %sub3A_161, %shift_right_arithmetic3A_159 : vector<16xi32>
        %bitcast_convert_type3A_163 = tpu.bitcast %sub3A_162 : vector<16xi32> -> vector<16xf32>
        %mul3A_164 = arith.constant 5.000000e-01 : f32
        %mul3A_165 = vector.broadcast %mul3A_164 : f32 to vector<16xf32>
        %mul3A_166 = arith.mulf %mul3A_165, %add3A_155 : vector<16xf32>
        %mul3A_167 = arith.mulf %mul3A_166, %bitcast_convert_type3A_163 : vector<16xf32>
        %mul3A_168 = arith.mulf %mul3A_167, %bitcast_convert_type3A_163 : vector<16xf32>
        %sub3A_169 = arith.constant 1.500000e+00 : f32
        %sub3A_170 = vector.broadcast %sub3A_169 : f32 to vector<16xf32>
        %sub3A_171 = arith.subf %sub3A_170, %mul3A_168 : vector<16xf32>
        %mul3A_172 = arith.mulf %bitcast_convert_type3A_163, %sub3A_171 : vector<16xf32>
        %mul3A_173 = arith.constant 5.000000e-01 : f32
        %mul3A_174 = vector.broadcast %mul3A_173 : f32 to vector<16xf32>
        %mul3A_175 = arith.mulf %mul3A_174, %add3A_155 : vector<16xf32>
        %mul3A_176 = arith.mulf %mul3A_175, %mul3A_172 : vector<16xf32>
        %mul3A_177 = arith.mulf %mul3A_176, %mul3A_172 : vector<16xf32>
        %sub3A_178 = arith.constant 1.500000e+00 : f32
        %sub3A_179 = vector.broadcast %sub3A_178 : f32 to vector<16xf32>
        %sub3A_180 = arith.subf %sub3A_179, %mul3A_177 : vector<16xf32>
        %mul3A_181 = arith.mulf %mul3A_172, %sub3A_180 : vector<16xf32>
        %mul3A_182 = arith.constant 5.000000e-01 : f32
        %mul3A_183 = vector.broadcast %mul3A_182 : f32 to vector<16xf32>
        %mul3A_184 = arith.mulf %mul3A_183, %add3A_155 : vector<16xf32>
        %mul3A_185 = arith.mulf %mul3A_184, %mul3A_181 : vector<16xf32>
        %mul3A_186 = arith.mulf %mul3A_185, %mul3A_181 : vector<16xf32>
        %sub3A_187 = arith.constant 1.500000e+00 : f32
        %sub3A_188 = vector.broadcast %sub3A_187 : f32 to vector<16xf32>
        %sub3A_189 = arith.subf %sub3A_188, %mul3A_186 : vector<16xf32>
        %mul3A_190 = arith.mulf %mul3A_181, %sub3A_189 : vector<16xf32>
        %mul3A_191 = arith.mulf %get3A_140, %mul3A_190 : vector<16xf32>
        %swap3A_192 = arith.index_cast %mul3A_138 : i32 to index
        %swap3A_193 = tpu.vector_load %arg7[%swap3A_192] {strides = array<i32>} : memref<12544xf32, #tpu.memory_space<vmem>>, vector<16xf32>,
        tpu.vector_store %arg7[%swap3A_192], %mul3A_191 {strides = array<i32>} : memref<12544xf32, #tpu.memory_space<vmem>>, vector<16xf32>,
        %mul3A_194 = arith.mulf %select_n3A_152, %mul3A_190 : vector<16xf32>
        %swap3A_195 = arith.index_cast %mul3A_138 : i32 to index
        %swap3A_196 = tpu.vector_load %arg8[%swap3A_195] {strides = array<i32>} : memref<12544xf32, #tpu.memory_space<vmem>>, vector<16xf32>,
        tpu.vector_store %arg8[%swap3A_195], %mul3A_194 {strides = array<i32>} : memref<12544xf32, #tpu.memory_space<vmem>>, vector<16xf32>,
        %scan3A_197 = arith.constant 3 : i32
        %scan3A_198 = arith.addi %scan3A_23, %scan3A_197 : i32
        %mul3A_199 = arith.constant 16 : i32
        %mul3A_200 = arith.muli %scan3A_198, %mul3A_199 : i32
        %get3A_201 = arith.index_cast %mul3A_200 : i32 to index
        %get3A_202 = tpu.vector_load %arg7[%get3A_201] {strides = array<i32>} : memref<12544xf32, #tpu.memory_space<vmem>>, vector<16xf32>,
        %get3A_203 = arith.index_cast %mul3A_200 : i32 to index
        %get3A_204 = tpu.vector_load %arg8[%get3A_203] {strides = array<i32>} : memref<12544xf32, #tpu.memory_space<vmem>>, vector<16xf32>,
        %lt3A_205 = arith.constant 9.99999993E-9 : f32
        %lt3A_206 = vector.broadcast %lt3A_205 : f32 to vector<16xf32>
        %lt3A_207 = arith.cmpf olt, %get3A_204, %lt3A_206 : vector<16xf32>
        %gt3A_208 = arith.constant -9.99999993E-9 : f32
        %gt3A_209 = vector.broadcast %gt3A_208 : f32 to vector<16xf32>
        %gt3A_210 = arith.cmpf ogt, %get3A_204, %gt3A_209 : vector<16xf32>
        %and3A_211 = arith.andi %lt3A_207, %gt3A_210 : vector<16xi1>
        %jit3A_212 = arith.constant 9.99999993E-9 : f32
        %broadcast_in_dim3A_213 = vector.broadcast %jit3A_212 : f32 to vector<16xf32>
        %select_n3A_214 = arith.select %and3A_211, %broadcast_in_dim3A_213, %get3A_204 : vector<16xi1>, vector<16xf32>
        %mul3A_215 = arith.mulf %get3A_202, %get3A_202 : vector<16xf32>
        %mul3A_216 = arith.mulf %select_n3A_214, %select_n3A_214 : vector<16xf32>
        %add3A_217 = arith.addf %mul3A_215, %mul3A_216 : vector<16xf32>
        %bitcast_convert_type3A_218 = tpu.bitcast %add3A_217 : vector<16xf32> -> vector<16xi32>
        %shift_right_arithmetic3A_219 = arith.constant 1 : i32
        %shift_right_arithmetic3A_220 = vector.broadcast %shift_right_arithmetic3A_219 : i32 to vector<16xi32>
        %shift_right_arithmetic3A_221 = arith.shrsi %bitcast_convert_type3A_218, %shift_right_arithmetic3A_220 : vector<16xi32>
        %sub3A_222 = arith.constant 1597463007 : i32
        %sub3A_223 = vector.broadcast %sub3A_222 : i32 to vector<16xi32>
        %sub3A_224 = arith.subi %sub3A_223, %shift_right_arithmetic3A_221 : vector<16xi32>
        %bitcast_convert_type3A_225 = tpu.bitcast %sub3A_224 : vector<16xi32> -> vector<16xf32>
        %mul3A_226 = arith.constant 5.000000e-01 : f32
        %mul3A_227 = vector.broadcast %mul3A_226 : f32 to vector<16xf32>
        %mul3A_228 = arith.mulf %mul3A_227, %add3A_217 : vector<16xf32>
        %mul3A_229 = arith.mulf %mul3A_228, %bitcast_convert_type3A_225 : vector<16xf32>
        %mul3A_230 = arith.mulf %mul3A_229, %bitcast_convert_type3A_225 : vector<16xf32>
        %sub3A_231 = arith.constant 1.500000e+00 : f32
        %sub3A_232 = vector.broadcast %sub3A_231 : f32 to vector<16xf32>
        %sub3A_233 = arith.subf %sub3A_232, %mul3A_230 : vector<16xf32>
        %mul3A_234 = arith.mulf %bitcast_convert_type3A_225, %sub3A_233 : vector<16xf32>
        %mul3A_235 = arith.constant 5.000000e-01 : f32
        %mul3A_236 = vector.broadcast %mul3A_235 : f32 to vector<16xf32>
        %mul3A_237 = arith.mulf %mul3A_236, %add3A_217 : vector<16xf32>
        %mul3A_238 = arith.mulf %mul3A_237, %mul3A_234 : vector<16xf32>
        %mul3A_239 = arith.mulf %mul3A_238, %mul3A_234 : vector<16xf32>
        %sub3A_240 = arith.constant 1.500000e+00 : f32
        %sub3A_241 = vector.broadcast %sub3A_240 : f32 to vector<16xf32>
        %sub3A_242 = arith.subf %sub3A_241, %mul3A_239 : vector<16xf32>
        %mul3A_243 = arith.mulf %mul3A_234, %sub3A_242 : vector<16xf32>
        %mul3A_244 = arith.constant 5.000000e-01 : f32
        %mul3A_245 = vector.broadcast %mul3A_244 : f32 to vector<16xf32>
        %mul3A_246 = arith.mulf %mul3A_245, %add3A_217 : vector<16xf32>
        %mul3A_247 = arith.mulf %mul3A_246, %mul3A_243 : vector<16xf32>
        %mul3A_248 = arith.mulf %mul3A_247, %mul3A_243 : vector<16xf32>
        %sub3A_249 = arith.constant 1.500000e+00 : f32
        %sub3A_250 = vector.broadcast %sub3A_249 : f32 to vector<16xf32>
        %sub3A_251 = arith.subf %sub3A_250, %mul3A_248 : vector<16xf32>
        %mul3A_252 = arith.mulf %mul3A_243, %sub3A_251 : vector<16xf32>
        %mul3A_253 = arith.mulf %get3A_202, %mul3A_252 : vector<16xf32>
        %swap3A_254 = arith.index_cast %mul3A_200 : i32 to index
        %swap3A_255 = tpu.vector_load %arg7[%swap3A_254] {strides = array<i32>} : memref<12544xf32, #tpu.memory_space<vmem>>, vector<16xf32>,
        tpu.vector_store %arg7[%swap3A_254], %mul3A_253 {strides = array<i32>} : memref<12544xf32, #tpu.memory_space<vmem>>, vector<16xf32>,
        %mul3A_256 = arith.mulf %select_n3A_214, %mul3A_252 : vector<16xf32>
        %swap3A_257 = arith.index_cast %mul3A_200 : i32 to index
        %swap3A_258 = tpu.vector_load %arg8[%swap3A_257] {strides = array<i32>} : memref<12544xf32, #tpu.memory_space<vmem>>, vector<16xf32>,
        tpu.vector_store %arg8[%swap3A_257], %mul3A_256 {strides = array<i32>} : memref<12544xf32, #tpu.memory_space<vmem>>, vector<16xf32>,
      }
      %scan3A_17 = arith.constant 784 : i32
      %scan3A_18 = arith.constant 0 : i32
      %scan3A_19 = arith.constant 8 : i32
      %scan3A_20 = arith.addi %scan3A_18, %scan3A_19 : i32
      %scan3A_21 = arith.constant 1 : i32
      scf.for %scan3A_23 = %scan3A_18 to %scan3A_20 step %scan3A_21  : i32 {
        %mul3A_24 = arith.constant 50176 : i32
        %mul3A_25 = arith.muli %add3A_8, %mul3A_24 : i32
        %mul3A_26 = arith.constant 6272 : i32
        %mul3A_27 = arith.muli %scan3A_23, %mul3A_26 : i32
        %add3A_28 = arith.addi %mul3A_25, %mul3A_27 : i32
        "tpu.region"() ({
          %run_scoped3A = tpu.sem_alloc : memref<!tpu.dma_semaphore, #tpu.memory_space<semaphore_mem>>
          %dma_start3A = tpu.memref_slice %arg4[%add3A_28] : memref<19267584xf32, #tpu.memory_space<hbm>> -> memref<6272xf32, #tpu.memory_space<hbm>>
          %dma_start3A_34 = tpu.memref_slice %arg4[%add3A_28] : memref<19267584xf32, #tpu.memory_space<hbm>> -> memref<6272xf32, #tpu.memory_space<hbm>>
          tpu.enqueue_dma source(%dma_start3A_34 : memref<6272xf32, #tpu.memory_space<hbm>>) target(%arg9 : memref<6272xf32, #tpu.memory_space<vmem>>) target_semaphore(%run_scoped3A : memref<!tpu.dma_semaphore, #tpu.memory_space<semaphore_mem>>)
          %dma_wait3A = tpu.memref_slice %arg4[%add3A_28] : memref<19267584xf32, #tpu.memory_space<hbm>> -> memref<6272xf32, #tpu.memory_space<hbm>>
          %dma_wait3A_35 = tpu.memref_slice %arg4[%add3A_28] : memref<19267584xf32, #tpu.memory_space<hbm>> -> memref<6272xf32, #tpu.memory_space<hbm>>
          tpu.wait_dma2 semaphore(%run_scoped3A : memref<!tpu.dma_semaphore, #tpu.memory_space<semaphore_mem>>) src(%dma_wait3A_35 : memref<6272xf32, #tpu.memory_space<hbm>>) dst(%arg9 : memref<6272xf32, #tpu.memory_space<vmem>>)
          tpu.yield
        }) : () -> ()
        %scan3A_29 = arith.constant 0 : i32
        %scan3A_30 = arith.constant 392 : i32
        %scan3A_31 = arith.addi %scan3A_29, %scan3A_30 : i32
        %scan3A_32 = arith.constant 4 : i32
        scf.for %scan3A_34 = %scan3A_29 to %scan3A_31 step %scan3A_32  : i32 {
          %mul3A_35 = arith.constant 16 : i32
          %mul3A_36 = arith.muli %scan3A_34, %mul3A_35 : i32
          %mul3A_37 = arith.constant 6272 : i32
          %mul3A_38 = arith.muli %scan3A_23, %mul3A_37 : i32
          %add3A_39 = arith.addi %mul3A_38, %mul3A_36 : i32
          %add3A_40 = vector.broadcast %add3A_39 : i32 to vector<16xi32>
          %add3A_41 = arith.addi %add3A_40, %iota3A : vector<16xi32>
          %shift_right_arithmetic3A = arith.constant 6 : i32
          %shift_right_arithmetic3A_42 = vector.broadcast %shift_right_arithmetic3A : i32 to vector<16xi32>
          %shift_right_arithmetic3A_43 = arith.shrsi %add3A_41, %shift_right_arithmetic3A_42 : vector<16xi32>
          %mul3A_44 = arith.constant 9363 : i32
          %mul3A_45 = vector.broadcast %mul3A_44 : i32 to vector<16xi32>
          %mul3A_46 = arith.muli %shift_right_arithmetic3A_43, %mul3A_45 : vector<16xi32>
          %shift_right_arithmetic3A_47 = arith.constant 16 : i32
          %shift_right_arithmetic3A_48 = vector.broadcast %shift_right_arithmetic3A_47 : i32 to vector<16xi32>
          %shift_right_arithmetic3A_49 = arith.shrsi %mul3A_46, %shift_right_arithmetic3A_48 : vector<16xi32>
          %shift_right_arithmetic3A_50 = arith.constant 1 : i32
          %shift_right_arithmetic3A_51 = vector.broadcast %shift_right_arithmetic3A_50 : i32 to vector<16xi32>
          %shift_right_arithmetic3A_52 = arith.shrsi %add3A_41, %shift_right_arithmetic3A_51 : vector<16xi32>
          %shift_right_arithmetic3A_53 = arith.constant 4 : i32
          %shift_right_arithmetic3A_54 = vector.broadcast %shift_right_arithmetic3A_53 : i32 to vector<16xi32>
          %shift_right_arithmetic3A_55 = arith.shrsi %shift_right_arithmetic3A_52, %shift_right_arithmetic3A_54 : vector<16xi32>
          %mul3A_56 = arith.constant 9363 : i32
          %mul3A_57 = vector.broadcast %mul3A_56 : i32 to vector<16xi32>
          %mul3A_58 = arith.muli %shift_right_arithmetic3A_55, %mul3A_57 : vector<16xi32>
          %shift_right_arithmetic3A_59 = arith.constant 16 : i32
          %shift_right_arithmetic3A_60 = vector.broadcast %shift_right_arithmetic3A_59 : i32 to vector<16xi32>
          %shift_right_arithmetic3A_61 = arith.shrsi %mul3A_58, %shift_right_arithmetic3A_60 : vector<16xi32>
          %mul3A_62 = arith.constant 112 : i32
          %mul3A_63 = vector.broadcast %mul3A_62 : i32 to vector<16xi32>
          %mul3A_64 = arith.muli %mul3A_63, %shift_right_arithmetic3A_61 : vector<16xi32>
          %sub3A = arith.subi %shift_right_arithmetic3A_52, %mul3A_64 : vector<16xi32>
          %mul3A_65 = arith.constant 112 : i32
          %mul3A_66 = vector.broadcast %mul3A_65 : i32 to vector<16xi32>
          %mul3A_67 = arith.muli %shift_right_arithmetic3A_49, %mul3A_66 : vector<16xi32>
          %add3A_68 = arith.addi %mul3A_67, %sub3A : vector<16xi32>
          %gather3A = tpu.vector_load_idx %arg7[%add3A_68] : memref<12544xf32, #tpu.memory_space<vmem>>[vector<16xi32>], vector<16xf32>,
          %gather3A_69 = tpu.vector_load_idx %arg8[%add3A_68] : memref<12544xf32, #tpu.memory_space<vmem>>[vector<16xi32>], vector<16xf32>,
          %get3A = arith.index_cast %mul3A_36 : i32 to index
          %get3A_70 = tpu.vector_load %arg9[%get3A] {strides = array<i32>} : memref<6272xf32, #tpu.memory_space<vmem>>, vector<16xf32>,
          %mul3A_71 = arith.mulf %get3A_70, %gather3A : vector<16xf32>
          %swap3A = arith.index_cast %mul3A_36 : i32 to index
          %swap3A_72 = tpu.vector_load %arg10[%swap3A] {strides = array<i32>} : memref<6272xf32, #tpu.memory_space<vmem>>, vector<16xf32>,
          tpu.vector_store %arg10[%swap3A], %mul3A_71 {strides = array<i32>} : memref<6272xf32, #tpu.memory_space<vmem>>, vector<16xf32>,
          %mul3A_73 = arith.mulf %get3A_70, %gather3A_69 : vector<16xf32>
          %swap3A_74 = arith.index_cast %mul3A_36 : i32 to index
          %swap3A_75 = tpu.vector_load %arg11[%swap3A_74] {strides = array<i32>} : memref<6272xf32, #tpu.memory_space<vmem>>, vector<16xf32>,
          tpu.vector_store %arg11[%swap3A_74], %mul3A_73 {strides = array<i32>} : memref<6272xf32, #tpu.memory_space<vmem>>, vector<16xf32>,
          %scan3A_76 = arith.constant 1 : i32
          %scan3A_77 = arith.addi %scan3A_34, %scan3A_76 : i32
          %mul3A_78 = arith.constant 16 : i32
          %mul3A_79 = arith.muli %scan3A_77, %mul3A_78 : i32
          %mul3A_80 = arith.constant 6272 : i32
          %mul3A_81 = arith.muli %scan3A_23, %mul3A_80 : i32
          %add3A_82 = arith.addi %mul3A_81, %mul3A_79 : i32
          %add3A_83 = vector.broadcast %add3A_82 : i32 to vector<16xi32>
          %add3A_84 = arith.addi %add3A_83, %iota3A : vector<16xi32>
          %shift_right_arithmetic3A_85 = arith.constant 6 : i32
          %shift_right_arithmetic3A_86 = vector.broadcast %shift_right_arithmetic3A_85 : i32 to vector<16xi32>
          %shift_right_arithmetic3A_87 = arith.shrsi %add3A_84, %shift_right_arithmetic3A_86 : vector<16xi32>
          %mul3A_88 = arith.constant 9363 : i32
          %mul3A_89 = vector.broadcast %mul3A_88 : i32 to vector<16xi32>
          %mul3A_90 = arith.muli %shift_right_arithmetic3A_87, %mul3A_89 : vector<16xi32>
          %shift_right_arithmetic3A_91 = arith.constant 16 : i32
          %shift_right_arithmetic3A_92 = vector.broadcast %shift_right_arithmetic3A_91 : i32 to vector<16xi32>
          %shift_right_arithmetic3A_93 = arith.shrsi %mul3A_90, %shift_right_arithmetic3A_92 : vector<16xi32>
          %shift_right_arithmetic3A_94 = arith.constant 1 : i32
          %shift_right_arithmetic3A_95 = vector.broadcast %shift_right_arithmetic3A_94 : i32 to vector<16xi32>
          %shift_right_arithmetic3A_96 = arith.shrsi %add3A_84, %shift_right_arithmetic3A_95 : vector<16xi32>
          %shift_right_arithmetic3A_97 = arith.constant 4 : i32
          %shift_right_arithmetic3A_98 = vector.broadcast %shift_right_arithmetic3A_97 : i32 to vector<16xi32>
          %shift_right_arithmetic3A_99 = arith.shrsi %shift_right_arithmetic3A_96, %shift_right_arithmetic3A_98 : vector<16xi32>
          %mul3A_100 = arith.constant 9363 : i32
          %mul3A_101 = vector.broadcast %mul3A_100 : i32 to vector<16xi32>
          %mul3A_102 = arith.muli %shift_right_arithmetic3A_99, %mul3A_101 : vector<16xi32>
          %shift_right_arithmetic3A_103 = arith.constant 16 : i32
          %shift_right_arithmetic3A_104 = vector.broadcast %shift_right_arithmetic3A_103 : i32 to vector<16xi32>
          %shift_right_arithmetic3A_105 = arith.shrsi %mul3A_102, %shift_right_arithmetic3A_104 : vector<16xi32>
          %mul3A_106 = arith.constant 112 : i32
          %mul3A_107 = vector.broadcast %mul3A_106 : i32 to vector<16xi32>
          %mul3A_108 = arith.muli %mul3A_107, %shift_right_arithmetic3A_105 : vector<16xi32>
          %sub3A_109 = arith.subi %shift_right_arithmetic3A_96, %mul3A_108 : vector<16xi32>
          %mul3A_110 = arith.constant 112 : i32
          %mul3A_111 = vector.broadcast %mul3A_110 : i32 to vector<16xi32>
          %mul3A_112 = arith.muli %shift_right_arithmetic3A_93, %mul3A_111 : vector<16xi32>
          %add3A_113 = arith.addi %mul3A_112, %sub3A_109 : vector<16xi32>
          %gather3A_114 = tpu.vector_load_idx %arg7[%add3A_113] : memref<12544xf32, #tpu.memory_space<vmem>>[vector<16xi32>], vector<16xf32>,
          %gather3A_115 = tpu.vector_load_idx %arg8[%add3A_113] : memref<12544xf32, #tpu.memory_space<vmem>>[vector<16xi32>], vector<16xf32>,
          %get3A_116 = arith.index_cast %mul3A_79 : i32 to index
          %get3A_117 = tpu.vector_load %arg9[%get3A_116] {strides = array<i32>} : memref<6272xf32, #tpu.memory_space<vmem>>, vector<16xf32>,
          %mul3A_118 = arith.mulf %get3A_117, %gather3A_114 : vector<16xf32>
          %swap3A_119 = arith.index_cast %mul3A_79 : i32 to index
          %swap3A_120 = tpu.vector_load %arg10[%swap3A_119] {strides = array<i32>} : memref<6272xf32, #tpu.memory_space<vmem>>, vector<16xf32>,
          tpu.vector_store %arg10[%swap3A_119], %mul3A_118 {strides = array<i32>} : memref<6272xf32, #tpu.memory_space<vmem>>, vector<16xf32>,
          %mul3A_121 = arith.mulf %get3A_117, %gather3A_115 : vector<16xf32>
          %swap3A_122 = arith.index_cast %mul3A_79 : i32 to index
          %swap3A_123 = tpu.vector_load %arg11[%swap3A_122] {strides = array<i32>} : memref<6272xf32, #tpu.memory_space<vmem>>, vector<16xf32>,
          tpu.vector_store %arg11[%swap3A_122], %mul3A_121 {strides = array<i32>} : memref<6272xf32, #tpu.memory_space<vmem>>, vector<16xf32>,
          %scan3A_124 = arith.constant 2 : i32
          %scan3A_125 = arith.addi %scan3A_34, %scan3A_124 : i32
          %mul3A_126 = arith.constant 16 : i32
          %mul3A_127 = arith.muli %scan3A_125, %mul3A_126 : i32
          %mul3A_128 = arith.constant 6272 : i32
          %mul3A_129 = arith.muli %scan3A_23, %mul3A_128 : i32
          %add3A_130 = arith.addi %mul3A_129, %mul3A_127 : i32
          %add3A_131 = vector.broadcast %add3A_130 : i32 to vector<16xi32>
          %add3A_132 = arith.addi %add3A_131, %iota3A : vector<16xi32>
          %shift_right_arithmetic3A_133 = arith.constant 6 : i32
          %shift_right_arithmetic3A_134 = vector.broadcast %shift_right_arithmetic3A_133 : i32 to vector<16xi32>
          %shift_right_arithmetic3A_135 = arith.shrsi %add3A_132, %shift_right_arithmetic3A_134 : vector<16xi32>
          %mul3A_136 = arith.constant 9363 : i32
          %mul3A_137 = vector.broadcast %mul3A_136 : i32 to vector<16xi32>
          %mul3A_138 = arith.muli %shift_right_arithmetic3A_135, %mul3A_137 : vector<16xi32>
          %shift_right_arithmetic3A_139 = arith.constant 16 : i32
          %shift_right_arithmetic3A_140 = vector.broadcast %shift_right_arithmetic3A_139 : i32 to vector<16xi32>
          %shift_right_arithmetic3A_141 = arith.shrsi %mul3A_138, %shift_right_arithmetic3A_140 : vector<16xi32>
          %shift_right_arithmetic3A_142 = arith.constant 1 : i32
          %shift_right_arithmetic3A_143 = vector.broadcast %shift_right_arithmetic3A_142 : i32 to vector<16xi32>
          %shift_right_arithmetic3A_144 = arith.shrsi %add3A_132, %shift_right_arithmetic3A_143 : vector<16xi32>
          %shift_right_arithmetic3A_145 = arith.constant 4 : i32
          %shift_right_arithmetic3A_146 = vector.broadcast %shift_right_arithmetic3A_145 : i32 to vector<16xi32>
          %shift_right_arithmetic3A_147 = arith.shrsi %shift_right_arithmetic3A_144, %shift_right_arithmetic3A_146 : vector<16xi32>
          %mul3A_148 = arith.constant 9363 : i32
          %mul3A_149 = vector.broadcast %mul3A_148 : i32 to vector<16xi32>
          %mul3A_150 = arith.muli %shift_right_arithmetic3A_147, %mul3A_149 : vector<16xi32>
          %shift_right_arithmetic3A_151 = arith.constant 16 : i32
          %shift_right_arithmetic3A_152 = vector.broadcast %shift_right_arithmetic3A_151 : i32 to vector<16xi32>
          %shift_right_arithmetic3A_153 = arith.shrsi %mul3A_150, %shift_right_arithmetic3A_152 : vector<16xi32>
          %mul3A_154 = arith.constant 112 : i32
          %mul3A_155 = vector.broadcast %mul3A_154 : i32 to vector<16xi32>
          %mul3A_156 = arith.muli %mul3A_155, %shift_right_arithmetic3A_153 : vector<16xi32>
          %sub3A_157 = arith.subi %shift_right_arithmetic3A_144, %mul3A_156 : vector<16xi32>
          %mul3A_158 = arith.constant 112 : i32
          %mul3A_159 = vector.broadcast %mul3A_158 : i32 to vector<16xi32>
          %mul3A_160 = arith.muli %shift_right_arithmetic3A_141, %mul3A_159 : vector<16xi32>
          %add3A_161 = arith.addi %mul3A_160, %sub3A_157 : vector<16xi32>
          %gather3A_162 = tpu.vector_load_idx %arg7[%add3A_161] : memref<12544xf32, #tpu.memory_space<vmem>>[vector<16xi32>], vector<16xf32>,
          %gather3A_163 = tpu.vector_load_idx %arg8[%add3A_161] : memref<12544xf32, #tpu.memory_space<vmem>>[vector<16xi32>], vector<16xf32>,
          %get3A_164 = arith.index_cast %mul3A_127 : i32 to index
          %get3A_165 = tpu.vector_load %arg9[%get3A_164] {strides = array<i32>} : memref<6272xf32, #tpu.memory_space<vmem>>, vector<16xf32>,
          %mul3A_166 = arith.mulf %get3A_165, %gather3A_162 : vector<16xf32>
          %swap3A_167 = arith.index_cast %mul3A_127 : i32 to index
          %swap3A_168 = tpu.vector_load %arg10[%swap3A_167] {strides = array<i32>} : memref<6272xf32, #tpu.memory_space<vmem>>, vector<16xf32>,
          tpu.vector_store %arg10[%swap3A_167], %mul3A_166 {strides = array<i32>} : memref<6272xf32, #tpu.memory_space<vmem>>, vector<16xf32>,
          %mul3A_169 = arith.mulf %get3A_165, %gather3A_163 : vector<16xf32>
          %swap3A_170 = arith.index_cast %mul3A_127 : i32 to index
          %swap3A_171 = tpu.vector_load %arg11[%swap3A_170] {strides = array<i32>} : memref<6272xf32, #tpu.memory_space<vmem>>, vector<16xf32>,
          tpu.vector_store %arg11[%swap3A_170], %mul3A_169 {strides = array<i32>} : memref<6272xf32, #tpu.memory_space<vmem>>, vector<16xf32>,
          %scan3A_172 = arith.constant 3 : i32
          %scan3A_173 = arith.addi %scan3A_34, %scan3A_172 : i32
          %mul3A_174 = arith.constant 16 : i32
          %mul3A_175 = arith.muli %scan3A_173, %mul3A_174 : i32
          %mul3A_176 = arith.constant 6272 : i32
          %mul3A_177 = arith.muli %scan3A_23, %mul3A_176 : i32
          %add3A_178 = arith.addi %mul3A_177, %mul3A_175 : i32
          %add3A_179 = vector.broadcast %add3A_178 : i32 to vector<16xi32>
          %add3A_180 = arith.addi %add3A_179, %iota3A : vector<16xi32>
          %shift_right_arithmetic3A_181 = arith.constant 6 : i32
          %shift_right_arithmetic3A_182 = vector.broadcast %shift_right_arithmetic3A_181 : i32 to vector<16xi32>
          %shift_right_arithmetic3A_183 = arith.shrsi %add3A_180, %shift_right_arithmetic3A_182 : vector<16xi32>
          %mul3A_184 = arith.constant 9363 : i32
          %mul3A_185 = vector.broadcast %mul3A_184 : i32 to vector<16xi32>
          %mul3A_186 = arith.muli %shift_right_arithmetic3A_183, %mul3A_185 : vector<16xi32>
          %shift_right_arithmetic3A_187 = arith.constant 16 : i32
          %shift_right_arithmetic3A_188 = vector.broadcast %shift_right_arithmetic3A_187 : i32 to vector<16xi32>
          %shift_right_arithmetic3A_189 = arith.shrsi %mul3A_186, %shift_right_arithmetic3A_188 : vector<16xi32>
          %shift_right_arithmetic3A_190 = arith.constant 1 : i32
          %shift_right_arithmetic3A_191 = vector.broadcast %shift_right_arithmetic3A_190 : i32 to vector<16xi32>
          %shift_right_arithmetic3A_192 = arith.shrsi %add3A_180, %shift_right_arithmetic3A_191 : vector<16xi32>
          %shift_right_arithmetic3A_193 = arith.constant 4 : i32
          %shift_right_arithmetic3A_194 = vector.broadcast %shift_right_arithmetic3A_193 : i32 to vector<16xi32>
          %shift_right_arithmetic3A_195 = arith.shrsi %shift_right_arithmetic3A_192, %shift_right_arithmetic3A_194 : vector<16xi32>
          %mul3A_196 = arith.constant 9363 : i32
          %mul3A_197 = vector.broadcast %mul3A_196 : i32 to vector<16xi32>
          %mul3A_198 = arith.muli %shift_right_arithmetic3A_195, %mul3A_197 : vector<16xi32>
          %shift_right_arithmetic3A_199 = arith.constant 16 : i32
          %shift_right_arithmetic3A_200 = vector.broadcast %shift_right_arithmetic3A_199 : i32 to vector<16xi32>
          %shift_right_arithmetic3A_201 = arith.shrsi %mul3A_198, %shift_right_arithmetic3A_200 : vector<16xi32>
          %mul3A_202 = arith.constant 112 : i32
          %mul3A_203 = vector.broadcast %mul3A_202 : i32 to vector<16xi32>
          %mul3A_204 = arith.muli %mul3A_203, %shift_right_arithmetic3A_201 : vector<16xi32>
          %sub3A_205 = arith.subi %shift_right_arithmetic3A_192, %mul3A_204 : vector<16xi32>
          %mul3A_206 = arith.constant 112 : i32
          %mul3A_207 = vector.broadcast %mul3A_206 : i32 to vector<16xi32>
          %mul3A_208 = arith.muli %shift_right_arithmetic3A_189, %mul3A_207 : vector<16xi32>
          %add3A_209 = arith.addi %mul3A_208, %sub3A_205 : vector<16xi32>
          %gather3A_210 = tpu.vector_load_idx %arg7[%add3A_209] : memref<12544xf32, #tpu.memory_space<vmem>>[vector<16xi32>], vector<16xf32>,
          %gather3A_211 = tpu.vector_load_idx %arg8[%add3A_209] : memref<12544xf32, #tpu.memory_space<vmem>>[vector<16xi32>], vector<16xf32>,
          %get3A_212 = arith.index_cast %mul3A_175 : i32 to index
          %get3A_213 = tpu.vector_load %arg9[%get3A_212] {strides = array<i32>} : memref<6272xf32, #tpu.memory_space<vmem>>, vector<16xf32>,
          %mul3A_214 = arith.mulf %get3A_213, %gather3A_210 : vector<16xf32>
          %swap3A_215 = arith.index_cast %mul3A_175 : i32 to index
          %swap3A_216 = tpu.vector_load %arg10[%swap3A_215] {strides = array<i32>} : memref<6272xf32, #tpu.memory_space<vmem>>, vector<16xf32>,
          tpu.vector_store %arg10[%swap3A_215], %mul3A_214 {strides = array<i32>} : memref<6272xf32, #tpu.memory_space<vmem>>, vector<16xf32>,
          %mul3A_217 = arith.mulf %get3A_213, %gather3A_211 : vector<16xf32>
          %swap3A_218 = arith.index_cast %mul3A_175 : i32 to index
          %swap3A_219 = tpu.vector_load %arg11[%swap3A_218] {strides = array<i32>} : memref<6272xf32, #tpu.memory_space<vmem>>, vector<16xf32>,
          tpu.vector_store %arg11[%swap3A_218], %mul3A_217 {strides = array<i32>} : memref<6272xf32, #tpu.memory_space<vmem>>, vector<16xf32>,
        }
        %scan3A_33 = arith.constant 392 : i32
        "tpu.region"() ({
          %run_scoped3A = tpu.sem_alloc : memref<!tpu.dma_semaphore, #tpu.memory_space<semaphore_mem>>
          %dma_start3A = tpu.memref_slice %arg5[%add3A_28] : memref<19267584xf32, #tpu.memory_space<hbm>> -> memref<6272xf32, #tpu.memory_space<hbm>>
          %dma_start3A_34 = tpu.memref_slice %arg5[%add3A_28] : memref<19267584xf32, #tpu.memory_space<hbm>> -> memref<6272xf32, #tpu.memory_space<hbm>>
          tpu.enqueue_dma source(%arg10 : memref<6272xf32, #tpu.memory_space<vmem>>) target(%dma_start3A_34 : memref<6272xf32, #tpu.memory_space<hbm>>) target_semaphore(%run_scoped3A : memref<!tpu.dma_semaphore, #tpu.memory_space<semaphore_mem>>)
          %dma_wait3A = tpu.memref_slice %arg5[%add3A_28] : memref<19267584xf32, #tpu.memory_space<hbm>> -> memref<6272xf32, #tpu.memory_space<hbm>>
          %dma_wait3A_35 = tpu.memref_slice %arg5[%add3A_28] : memref<19267584xf32, #tpu.memory_space<hbm>> -> memref<6272xf32, #tpu.memory_space<hbm>>
          tpu.wait_dma2 semaphore(%run_scoped3A : memref<!tpu.dma_semaphore, #tpu.memory_space<semaphore_mem>>) src(%arg10 : memref<6272xf32, #tpu.memory_space<vmem>>) dst(%dma_wait3A_35 : memref<6272xf32, #tpu.memory_space<hbm>>)
          tpu.yield
        }) : () -> ()
        "tpu.region"() ({
          %run_scoped3A = tpu.sem_alloc : memref<!tpu.dma_semaphore, #tpu.memory_space<semaphore_mem>>
          %dma_start3A = tpu.memref_slice %arg6[%add3A_28] : memref<19267584xf32, #tpu.memory_space<hbm>> -> memref<6272xf32, #tpu.memory_space<hbm>>
          %dma_start3A_34 = tpu.memref_slice %arg6[%add3A_28] : memref<19267584xf32, #tpu.memory_space<hbm>> -> memref<6272xf32, #tpu.memory_space<hbm>>
          tpu.enqueue_dma source(%arg11 : memref<6272xf32, #tpu.memory_space<vmem>>) target(%dma_start3A_34 : memref<6272xf32, #tpu.memory_space<hbm>>) target_semaphore(%run_scoped3A : memref<!tpu.dma_semaphore, #tpu.memory_space<semaphore_mem>>)
          %dma_wait3A = tpu.memref_slice %arg6[%add3A_28] : memref<19267584xf32, #tpu.memory_space<hbm>> -> memref<6272xf32, #tpu.memory_space<hbm>>
          %dma_wait3A_35 = tpu.memref_slice %arg6[%add3A_28] : memref<19267584xf32, #tpu.memory_space<hbm>> -> memref<6272xf32, #tpu.memory_space<hbm>>
          tpu.wait_dma2 semaphore(%run_scoped3A : memref<!tpu.dma_semaphore, #tpu.memory_space<semaphore_mem>>) src(%arg11 : memref<6272xf32, #tpu.memory_space<vmem>>) dst(%dma_wait3A_35 : memref<6272xf32, #tpu.memory_space<hbm>>)
          tpu.yield
        }) : () -> ()
      }
      %scan3A_22 = arith.constant 8 : i32
    }
    %scan3A_4 = arith.constant 12 : i32
    return
  }
}

</mosaic_0001>

<sc_bundles>
// kernel: _phase_mul.3.cloned.1.call-start
scs
__scs_entry_jumppad:
0x0: {  	(pc) =	sbr.rel $0x88, $3  }
0x1: {  	(tag) =	ssettag $0x0;
	lr =	simm.s32 $0x1  }
0x2: {  	[smem:$0x3F9E] =	sst lr;
	_ =	strace $0xD0000000  }
0x3: {  	_ = 	snop  }
0x4: {  	_ = 	snop  }
0x5: {  	_ = 	snop  }
0x6: {  	_ = 	snop  }
0x7: {  	_ = 	snop  }
__scs_overlays_trampoline_lowered:
0x8: {  	[smem:$0x3FAD] =	sst s0  }
0x9: {  	[smem:$0x3FAE] =	sst s1  }
0xa: {  	[smem:$0x3FAF] =	sst s2  }
0xb: {  	[smem:$0x3FB0] =	sst s3  }
0xc: {  	[smem:$0x3FB1] =	sst s4  }
0xd: {  	[smem:$0x3FB2] =	sst s5  }
0xe: {  	[smem:$0x3FB3] =	sst s6  }
0xf: {  	[smem:$0x3FB4] =	sst s7  }
0x10: {  	[smem:$0x3FB5] =	sst s8  }
0x11: {  	[smem:$0x3FB6] =	sst s9;
	s0 =	simm.s32 @!p0 $0x0  }
0x12: {  	s1 =	sld [smem:$0x3F9C];
	s0 =	simm.s32 @p0 $0x1  }
0x13: {  	[smem:$0x3FB7] =	sst s0;
	s0 =	simm.s32 @!p1 $0x0  }
0x14: {  	s2 =	sld [smem:$0x3F9B];
	s0 =	simm.s32 @p1 $0x1  }
0x15: {  	[smem:$0x3FB8] =	sst s0;
	s0 =	simm.s32 @!p2 $0x0  }
0x16: {  	s3 =	sld [smem:$0x3FDB];
	s0 =	simm.s32 @p2 $0x1  }
0x17: {  	s4 =	simm.s32 $0x1BF5;
	[smem:$0x3FBA] =	sst s0  }
0x18: {  	s0 =	sld [smem:$0x3F9D];
	_ =	swait.ge [sflag:s4], $0x0  }
0x19: {  	s7 =	sld [smem:$0x3F9E]  }
0x1a: {  	s8 =	sadd.s32 $0xFFFFE003, lr  }
0x1b: {  	s9 =	sadd.s32 $0xFFFFFEF7, lr;
	s5 =	simm.s32 $0xFFFFFFFF;
	p2 =	slt.u32 s8, $0xFFFFF086  }
0x1c: {  	p1 =	slt.u32 s9, $0xF7A;
	s5 =	simm.s32 @!p2 $0x0  }
0x1d: {  	s5 =	simm.s32 @p1 $0x1;
	p0 =	seq.s32 s7, s2  }
0x1e: {  	s7 =	smul.u32 @!p0 $0xF7A, s2;
	p2 =	seq.s32 @!p0 s5, $0x0  }
0x1f: {  	s9 =	smul.u32 $0xF7A, s1;
	s8 =	simm.s32 @!p0 $0x1BF5;
	p2 =	por !p2, p0  }
0x20: {  	[sflag:s8] =	ssyncset.s32 @!p0 $0xFFFFF086;
	s6 =	sadd.s32 @!p0 s3, s7;
	s7 =	simm.s32 @!p0 $0x108  }
0x21: {  	s3 =	sadd.s32 s3, s9;
	s6 =	sadd.s32 @!p0 $0x88, s6;
	s7 =	simm.s32 @p2 $0x1082  }
0x22: {  	[simem:s7], [sflag:s8] =	dma.local @!p0 [hbm:s6], $0xF7A  }
0x23: {  	s9 =	sor.u32 $0xD0000000, s2;
	s6 =	simm.s32 $0x108;
	_ =	swait.ge @!p0 [sflag:s8], $0x0  }
0x24: {  	s3 =	sadd.s32 $0x88, s3;
	s6 =	simm.s32 @!p1 $0x1082;
	[sflag:s4] =	ssyncset.s32 $0xFFFFF086  }
0x25: {  	[simem:s6], [sflag:s4] =	dma.local [hbm:s3], $0xF7A  }
0x26: {  	[smem:$0x3F9E] =	sst s1;
	(tag) =	ssettag s2;
	_ =	strace s9  }
0x27: {  	s1 =	sld [smem:$0x3FAE]  }
0x28: {  	s2 =	sld [smem:$0x3FAF]  }
0x29: {  	s4 =	sld [smem:$0x3FB1]  }
0x2a: {  	p0 =	seq.s32 s5, $0x0;
	s5 =	sld [smem:$0x3FB2]  }
0x2b: {  	s6 =	sld [smem:$0x3FB3]  }
0x2c: {  	s7 =	sld [smem:$0x3FB4]  }
0x2d: {  	s3 =	simm.s32 $0x108;
	s8 =	sld [smem:$0x3FB5]  }
0x2e: {  	s3 =	simm.s32 @!p0 $0x1082;
	s9 =	sld [smem:$0x3FB6]  }
0x2f: {  	lr =	sadd.s32 s0, s3;
	s0 =	sld [smem:$0x3FAD]  }
0x30: {  	s3 =	sld [smem:$0x3FB0]  }
0x31: {  	[smem:$0x3FB9] =	sst s10  }
0x32: {  	s10 =	sld [smem:$0x3FB7];
	_ =	sdelay $0x3  }
0x33: {  	p0 =	seq.s32 s10, $0x1;
	s10 =	sld [smem:$0x3FB9];
	_ =	sdelay $0x3  }
0x34: {  	[smem:$0x3FB9] =	sst s10  }
0x35: {  	s10 =	sld [smem:$0x3FB8];
	_ =	sdelay $0x3  }
0x36: {  	p1 =	seq.s32 s10, $0x1;
	s10 =	sld [smem:$0x3FB9];
	_ =	sdelay $0x3  }
0x37: {  	[smem:$0x3FB9] =	sst s10  }
0x38: {  	s10 =	sld [smem:$0x3FBA]  }
0x39: {  	_ = 	snop;
	(pc) =	sbr.ind lr, $3  }
0x3a: {  	_ = 	snop  }
0x3b: {  	_ = 	snop  }
0x3c: {  	p2 =	seq.s32 s10, $0x1;
	s10 =	sld [smem:$0x3FB9]  }
0x3d: {  	_ =	shalt  }
0x3e: {  	_ =	shalt  }
0x3f: {  	_ =	shalt  }
0x40: {  	_ =	shalt  }
0x41: {  	_ =	shalt  }
0x42: {  	_ =	shalt  }
0x43: {  	_ =	shalt  }
0x44: {  	_ =	shalt  }
0x45: {  	_ =	shalt  }
0x46: {  	_ =	shalt  }
0x47: {  	_ =	shalt  }
0x48: {  	_ =	shalt  }
0x49: {  	_ =	shalt  }
0x4a: {  	_ =	shalt  }
0x4b: {  	_ =	shalt  }
0x4c: {  	_ =	shalt  }
0x4d: {  	_ =	shalt  }
0x4e: {  	_ =	shalt  }
0x4f: {  	_ =	shalt  }
0x50: {  	_ =	shalt  }
0x51: {  	_ =	shalt  }
0x52: {  	_ =	shalt  }
0x53: {  	_ =	shalt  }
0x54: {  	_ =	shalt  }
0x55: {  	_ =	shalt  }
0x56: {  	_ =	shalt  }
0x57: {  	_ =	shalt  }
0x58: {  	_ =	shalt  }
0x59: {  	_ =	shalt  }
0x5a: {  	_ =	shalt  }
0x5b: {  	_ =	shalt  }
0x5c: {  	_ =	shalt  }
0x5d: {  	_ =	shalt  }
0x5e: {  	_ =	shalt  }
0x5f: {  	_ =	shalt  }
0x60: {  	_ =	shalt  }
0x61: {  	_ =	shalt  }
0x62: {  	_ =	shalt  }
0x63: {  	_ =	shalt  }
0x64: {  	_ =	shalt  }
0x65: {  	_ =	shalt  }
0x66: {  	_ =	shalt  }
0x67: {  	_ =	shalt  }
0x68: {  	_ =	shalt  }
0x69: {  	_ =	shalt  }
0x6a: {  	_ =	shalt  }
0x6b: {  	_ =	shalt  }
0x6c: {  	_ =	shalt  }
0x6d: {  	_ =	shalt  }
0x6e: {  	_ =	shalt  }
0x6f: {  	_ =	shalt  }
0x70: {  	_ =	shalt  }
0x71: {  	_ =	shalt  }
0x72: {  	_ =	shalt  }
0x73: {  	_ =	shalt  }
0x74: {  	_ =	shalt  }
0x75: {  	_ =	shalt  }
0x76: {  	_ =	shalt  }
0x77: {  	_ =	shalt  }
0x78: {  	_ =	shalt  }
0x79: {  	_ =	shalt  }
0x7a: {  	_ =	shalt  }
0x7b: {  	_ =	shalt  }
0x7c: {  	_ =	shalt  }
0x7d: {  	_ =	shalt  }
0x7e: {  	_ =	shalt  }
0x7f: {  	_ =	shalt  }
0x80: {  	_ =	shalt  }
0x81: {  	_ =	shalt  }
0x82: {  	_ =	shalt  }
0x83: {  	_ =	shalt  }
0x84: {  	_ =	shalt  }
0x85: {  	_ =	shalt  }
0x86: {  	_ =	shalt  }
0x87: {  	_ =	shalt  }
.Lfunc_end0:
.L_simem_size_0:
called_computation_lowered:
.L_overlay_start_0:
0x88: {  	s2 =	sld [smem:$0x3FD9]  }
0x89: {  	s3 =	sld [smem:$0x3FFE];
	_ =	sdelay $0x1  }
0x8a: {  	s1 =	srdreg.scid  }
0x8b: {  	s0 =	sand.u32 $0x1, s1  }
0x8c: {  	s15 =	sshll.u32 s0, $0xA;
	s2 =	sadd.s32 s3, s2  }
0x8d: {  	s2 =	sadd.s32 s2, s15  }
0x8e: {  	[smem:$0x3FC5] =	sst s2  }
0x8f: {  	_ = 	snop  }
0x90: {  	s2 =	sld [smem:$0x3FD0]  }
0x91: {  	s16 =	sld [smem:$0x3FC9]  }
0x92: {  	s4 =	sld [smem:$0x3FC8]  }
0x93: {  	s6 =	simm.s32 $0xA;
	s7 =	simm.s32 $0x10;
	s5 =	sld [smem:$0x3FC7]  }
0x94: {  	[smem:s7], [sflag:s6] =	dma.local [hbm:s2], $0x1  }
0x95: {  	_ =	swait.eq [sflag:s6], $0x1  }
0x96: {  	[sflag:s6] =	ssyncset.done $0x0  }
0x97: {  	s17 =	sld [smem:$0x10];
	[sflag:s6] =	ssyncadd.s32 $0xFFFFFFFF  }
0x98: {  	s18 =	sld [smem:$0x11];
	(tm) =	ssettm $0x1  }
0x99: {  	s19 =	sld [smem:$0x3FFB];
	_ =	sdelay $0x3  }
0x9a: {  	_ =	strace s19  }
0x9b: {  	s7 =	sld [smem:$0x3FFC];
	_ =	sdelay $0x3  }
0x9c: {  	_ =	strace s7  }
0x9d: {  	s7 =	sld [smem:$0x3FFD];
	_ =	sdelay $0x3  }
0x9e: {  	_ =	strace s7  }
0x9f: {  	_ =	strace $0x8FFFFFFF  }
0xa0: {  	s20 =	sld [smem:$0x3FDB];
	_ =	sdelay $0x1  }
0xa1: {  	s8 =	simm.s32 $_scs_section_size  }
0xa2: {  	s9 =	simm.s32 $_size__tile_overlayer_lowered;
	s10 =	simm.s32 $_tile_overlayer_lowered  }
0xa3: {  	s23 =	simm.s32 $0x1BFF;
	s22 =	sshll.u32 s10, $0x1;
	s7 =	sadd.s32 s8, s20  }
0xa4: {  	s11 =	simm.s32 $0x0;
	s21 =	sshll.u32 s9, $0x1;
	s9 =	sadd.s32 s22, s7  }
0xa5: {  	[timem:s11], [sflag:s23] =	dma.local [hbm:s9], s21  }
0xa6: {  	_ =	swait.ge [sflag:s23], s21  }
0xa7: {  	s8 =	ssub.s32 $0x0, s21;
	[sflag:s23] =	ssyncset.done $0x0  }
0xa8: {  	[sflag:s23] =	ssyncadd.s32 s8;
	_ =	sdelay $0x1  }
0xa9: {  	s24 =	simm.s32 $0x1B8B  }
0xaa: {  	_ =	swait.ge [sflag:s24], $0x1  }
0xab: {  	[sflag:s24] =	ssyncset.done $0x0  }
0xac: {  	s25 =	simm.s32 $0x1B8E;
	[sflag:s24] =	ssyncadd.s32 $0xFFFFFFFF  }
0xad: {  	s26 =	simm.s32 $execute0_lowered;
	[smem:$0x3FD2] =	sst s25  }
0xae: {  	s8 =	sshll.u32 s26, $0x1;
	_ =	strace $0x80000046;
	[dreg:$0x1] =	wrdreg $0xFFFFFFFF  }
0xaf: {  	s28 =	simm.s32 $_size_execute0_lowered;
	s7 =	sadd.s32 s7, s8;
	[dreg:$0x0] =	wrdreg $0x0  }
0xb0: {  	s8 =	sshll.u32 s28, $0x1;
	[dreg:$0x2] =	wrdreg s7  }
0xb1: {  	[dreg:$0x3] =	wrdreg s8  }
0xb2: {  	[dreg:$0x4] =	wrdreg $0xC0  }
0xb3: {  	_ =	task [dreg:s11], $0x5FFFF  }
0xb4: {  	[dreg:$0x1] =	wrdreg $0xFFFFFFFF  }
0xb5: {  	[dreg:$0x0] =	wrdreg $0x60  }
0xb6: {  	[dreg:$0x2] =	wrdreg s16  }
0xb7: {  	[dreg:$0x3] =	wrdreg s4  }
0xb8: {  	[dreg:$0x4] =	wrdreg s5  }
0xb9: {  	[dreg:$0x5] =	wrdreg s17  }
0xba: {  	[dreg:$0x6] =	wrdreg s18  }
0xbb: {  	[dreg:$0x7] =	wrdreg $0x9  }
0xbc: {  	_ =	task.clear_ibuf [dreg:s11], $0x8FFFF;
	_ =	strace $0x90000046  }
0xbd: {  	s29 =	simm.s32 $0x9;
	_ =	strace $0x80000048  }
0xbe: {  	_ =	swait.ge [sflag:s29], $0x1  }
0xbf: {  	[sflag:s29] =	ssyncadd.s32 $0xFFFFFFFF  }
0xc0: {  	_ =	strace $0x90000048  }
0xc1: {  	_ =	sfence  }
0xc2: {  	s30 =	sld [smem:$0x0];
	_ =	sdelay $0x2  }
0xc3: {  	s31 =	sshll.u32 s1, $0xD;
	s1 =	sshrl.u32 s1, $0x2  }
0xc4: {  	s3 =	sand.u32 $0x4000, s31;
	s1 =	sadd.s32 s1, s30  }
0xc5: {  	s0 =	sor.u32 s3, s0;
	s1 =	sshll.u32 s1, $0x11  }
0xc6: {  	s0 =	sor.u32 s1, s0  }
0xc7: {  	s0 =	sadd.s32 $0x8F2B, s0  }
0xc8: {  	[sflag:s0] =	ssyncadd.remote.s32 $0x1  }
0xc9: {  	_ =	sfence.sel $0xFFFF  }
0xca: {  	[dreg:$0x0] =	wrdreg $0xFFFFFFFF;
	(pc) =	sbr.abs _section_cstart, $3  }
0xcb: {  	[dreg:$0x1] =	wrdreg $0xFFFFFFFF  }
0xcc: {  	_ =	task.clear_ibuf [dreg:s11], $0x2FFFF;
	_ =	strace $0x9FFFFFFF  }
0xcd: {  	(tm) =	ssettm $0x7FFFFFFF  }
tec
execute0_lowered:
.L_overlay_start_1:
0x0: {  	(tag) =	ssettag $0x1  }
0x1: {  	s0 =	rddreg [dreg:$0x0]  }
0x2: {  	s2 =	rddreg [dreg:$0x1]  }
0x3: {  	s3 =	rddreg [dreg:$0x2]  }
0x4: {  	s4 =	rddreg [dreg:$0x3];
	s1 =	srdreg.scid  }
0x5: {  	s6 =	rddreg [dreg:$0x4];
	s5 =	stileid.u32  }
0x6: {  	s7 =	simm.s32 $0x0;
	s12 =	simm.s32 $0x6200;
	s13 =	simm.s32 $0x7A80  }
0x7: {  	s14 =	simm.s32 $0x9300;
	s15 =	simm.s32 $0x0;
	s8 =	sand.u32 $0x1, s1  }
0x8: {  	s1 =	rddreg [dreg:$0x5];
	s11 =	sshll.u32 s5, $0x1;
	s9 =	ssub.s32 $0x2, s8  }
0x9: {  	[smem:$0x7FF] =	sst s7;
	s8 =	sor.u32 s8, s11;
	s10 =	sshrl.u32 s9, $0x1  }
0xa: {  	_ =	strace $0x80000047;
	s11 =	simm.s32 $0x3100;
	s9 =	ssub.s32 s9, s10  }
0xb: {  	v0 =	vlaneseq.u32;
	s8 =	smul.u32 $0xC, s8;
	s10 =	simm.s32 $0x1;
	s9 =	smax.u32 s9, $0x1  }
.LBB2_1:
0xc: {  	s16 =	simm.s32 $0x0  }
.LBB2_2:
0xd: {  	s17 =	sadd.s32 s8, s16  }
0xe: {  	s18 =	smul.u32 $0x620, s17;
	_ =	sdelay $0x1  }
0xf: {  	s19 =	sadd.s32 s0, s18  }
0x10: {  	[tilespmem:s7], [sflag:$0x1] =	stream.linear.gather [hbm4b:s19+s7], $0x3100, $0x38;
	[tilespmem:$0xAB80] =	vst v63  }
0x11: {  	_ =	swait.ge [sflag:s10], $0x3100  }
0x12: {  	[sflag:s10] =	ssyncset.done $0x0  }
0x13: {  	s18 =	sadd.s32 s2, s18;
	[sflag:s10] =	ssyncadd.s32 $0xFFFFCF00  }
0x14: {  	[tilespmem:s11], [sflag:$0x1] =	stream.linear.gather [hbm4b:s18+s7], $0x3100, $0x38;
	[tilespmem:$0xAB80] =	vst v63  }
0x15: {  	_ =	swait.ge [sflag:s10], $0x3100  }
0x16: {  	[sflag:s10] =	ssyncset.done $0x0  }
0x17: {  	s19 =	simm.s32 $0x3120;
	[sflag:s10] =	ssyncadd.s32 $0xFFFFCF00  }
0x18: {  	v1 =	vld [tilespmem:s19+$0xFFFFFFE0];
	_ =	sdelay $0x1  }
0x19: {  	s18 =	simm.s32 $0x20  }
0x1a: {  	v2 =	vld [tilespmem:s18+$0xFFFFFFE0];
	_ =	sdelay $0x1  }
0x1b: {  	v3 =	vand.u32 $0x7FFFFFFF, v1  }
0x1c: {  	vm0 =	vlt.f32 v3, $9.999999930e-09  }
0x1d: {  	v1 =	vsel vm0, $0x322BCC77, v1  }
0x1e: {  	v3 =	vmul.f32 v2, v2;
	v4 =	vmul.f32 v1, v1;
	_ =	sdelay $0x1  }
0x1f: {  	v3 =	vadd.f32 v4, v3;
	_ =	sdelay $0x1  }
0x20: {  	v4 =	vshra.s32 v3, $0x1;
	v3 =	vmul.f32 $5.000000000e-01, v3  }
0x21: {  	v4 =	vsub.s32 $0x5F3759DF, v4  }
0x22: {  	v5 =	vmul.f32 v4, v3;
	_ =	sdelay $0x1  }
0x23: {  	v5 =	vmul.f32 v4, v5;
	_ =	sdelay $0x1  }
0x24: {  	v5 =	vsub.f32 $1.500000000e+00, v5;
	_ =	sdelay $0x1  }
0x25: {  	v4 =	vmul.f32 v4, v5;
	_ =	sdelay $0x1  }
0x26: {  	v5 =	vmul.f32 v4, v3;
	_ =	sdelay $0x1  }
0x27: {  	v5 =	vmul.f32 v5, v4;
	_ =	sdelay $0x1  }
0x28: {  	v5 =	vsub.f32 $1.500000000e+00, v5;
	_ =	sdelay $0x1  }
0x29: {  	v4 =	vmul.f32 v5, v4;
	_ =	sdelay $0x1  }
0x2a: {  	v3 =	vmul.f32 v4, v3;
	_ =	sdelay $0x1  }
0x2b: {  	v3 =	vmul.f32 v3, v4;
	_ =	sdelay $0x1  }
0x2c: {  	v3 =	vsub.f32 $1.500000000e+00, v3;
	_ =	sdelay $0x1  }
0x2d: {  	v3 =	vmul.f32 v3, v4;
	_ =	sdelay $0x1  }
0x2e: {  	v2 =	vmul.f32 v3, v2;
	_ =	sdelay $0x1  }
0x2f: {  	[tilespmem:s18+$0xFFFFFFE0] =	vst v2  }
0x30: {  	v1 =	vmul.f32 v3, v1;
	v2 =	vld [tilespmem:s19+$0xFFFFFFF0];
	_ =	sdelay $0x1  }
0x31: {  	[tilespmem:s19+$0xFFFFFFE0] =	vst v1  }
0x32: {  	v1 =	vld [tilespmem:s18+$0xFFFFFFF0];
	_ =	sdelay $0x1  }
0x33: {  	v3 =	vand.u32 $0x7FFFFFFF, v2  }
0x34: {  	vm13 =	vlt.f32 v3, $9.999999930e-09  }
0x35: {  	v2 =	vsel vm13, $0x322BCC77, v2  }
0x36: {  	v3 =	vmul.f32 v1, v1;
	v58 =	vmul.f32 v2, v2;
	_ =	sdelay $0x1  }
0x37: {  	v3 =	vadd.f32 v58, v3;
	_ =	sdelay $0x1  }
0x38: {  	v4 =	vshra.s32 v3, $0x1;
	v3 =	vmul.f32 $5.000000000e-01, v3  }
0x39: {  	v4 =	vsub.s32 $0x5F3759DF, v4  }
0x3a: {  	v59 =	vmul.f32 v4, v3;
	_ =	sdelay $0x1  }
0x3b: {  	v5 =	vmul.f32 v4, v59;
	_ =	sdelay $0x1  }
0x3c: {  	v5 =	vsub.f32 $1.500000000e+00, v5;
	_ =	sdelay $0x1  }
0x3d: {  	v4 =	vmul.f32 v4, v5;
	_ =	sdelay $0x1  }
0x3e: {  	v5 =	vmul.f32 v4, v3;
	_ =	sdelay $0x1  }
0x3f: {  	v5 =	vmul.f32 v5, v4;
	_ =	sdelay $0x1  }
0x40: {  	v5 =	vsub.f32 $1.500000000e+00, v5;
	_ =	sdelay $0x1  }
0x41: {  	v4 =	vmul.f32 v5, v4;
	_ =	sdelay $0x1  }
0x42: {  	v3 =	vmul.f32 v4, v3;
	_ =	sdelay $0x1  }
0x43: {  	v3 =	vmul.f32 v3, v4;
	_ =	sdelay $0x1  }
0x44: {  	v3 =	vsub.f32 $1.500000000e+00, v3;
	_ =	sdelay $0x1  }
0x45: {  	v3 =	vmul.f32 v3, v4;
	_ =	sdelay $0x1  }
0x46: {  	v1 =	vmul.f32 v3, v1;
	_ =	sdelay $0x1  }
0x47: {  	[tilespmem:s18+$0xFFFFFFF0] =	vst v1  }
0x48: {  	v2 =	vmul.f32 v3, v2;
	v1 =	vld [tilespmem:s19+$0x0];
	_ =	sdelay $0x1  }
0x49: {  	[tilespmem:s19+$0xFFFFFFF0] =	vst v2  }
0x4a: {  	v2 =	vld [tilespmem:s18+$0x0];
	_ =	sdelay $0x1  }
0x4b: {  	v3 =	vand.u32 $0x7FFFFFFF, v1  }
0x4c: {  	vm14 =	vlt.f32 v3, $9.999999930e-09  }
0x4d: {  	v1 =	vsel vm14, $0x322BCC77, v1  }
0x4e: {  	v3 =	vmul.f32 v2, v2;
	v60 =	vmul.f32 v1, v1;
	_ =	sdelay $0x1  }
0x4f: {  	v3 =	vadd.f32 v60, v3;
	_ =	sdelay $0x1  }
0x50: {  	v4 =	vshra.s32 v3, $0x1;
	v3 =	vmul.f32 $5.000000000e-01, v3  }
0x51: {  	v4 =	vsub.s32 $0x5F3759DF, v4  }
0x52: {  	v61 =	vmul.f32 v4, v3;
	_ =	sdelay $0x1  }
0x53: {  	v5 =	vmul.f32 v4, v61;
	_ =	sdelay $0x1  }
0x54: {  	v5 =	vsub.f32 $1.500000000e+00, v5;
	_ =	sdelay $0x1  }
0x55: {  	v4 =	vmul.f32 v4, v5;
	_ =	sdelay $0x1  }
0x56: {  	v5 =	vmul.f32 v4, v3;
	_ =	sdelay $0x1  }
0x57: {  	v5 =	vmul.f32 v5, v4;
	_ =	sdelay $0x1  }
0x58: {  	v5 =	vsub.f32 $1.500000000e+00, v5;
	_ =	sdelay $0x1  }
0x59: {  	v4 =	vmul.f32 v5, v4;
	_ =	sdelay $0x1  }
0x5a: {  	v3 =	vmul.f32 v4, v3;
	_ =	sdelay $0x1  }
0x5b: {  	v3 =	vmul.f32 v3, v4;
	_ =	sdelay $0x1  }
0x5c: {  	v3 =	vsub.f32 $1.500000000e+00, v3;
	_ =	sdelay $0x1  }
0x5d: {  	v3 =	vmul.f32 v3, v4;
	_ =	sdelay $0x1  }
0x5e: {  	v2 =	vmul.f32 v3, v2  }
0x5f: {  	v1 =	vmul.f32 v3, v1  }
0x60: {  	[tilespmem:s18+$0x0] =	vst v2  }
0x61: {  	[tilespmem:s19+$0x0] =	vst v1;
	v1 =	vld [tilespmem:s19+$0x10];
	_ =	sdelay $0x2  }
0x62: {  	v2 =	vld [tilespmem:s18+$0x10];
	_ =	sdelay $0x1  }
0x63: {  	v3 =	vand.u32 $0x7FFFFFFF, v1  }
0x64: {  	vm15 =	vlt.f32 v3, $9.999999930e-09  }
0x65: {  	v1 =	vsel vm15, $0x322BCC77, v1  }
0x66: {  	v3 =	vmul.f32 v2, v2;
	v62 =	vmul.f32 v1, v1;
	_ =	sdelay $0x1  }
0x67: {  	v3 =	vadd.f32 v62, v3;
	_ =	sdelay $0x1  }
0x68: {  	v4 =	vshra.s32 v3, $0x1;
	v3 =	vmul.f32 $5.000000000e-01, v3  }
0x69: {  	v4 =	vsub.s32 $0x5F3759DF, v4  }
0x6a: {  	v63 =	vmul.f32 v4, v3;
	_ =	sdelay $0x1  }
0x6b: {  	v5 =	vmul.f32 v4, v63;
	_ =	sdelay $0x1  }
0x6c: {  	v5 =	vsub.f32 $1.500000000e+00, v5;
	_ =	sdelay $0x1  }
0x6d: {  	v4 =	vmul.f32 v4, v5;
	_ =	sdelay $0x1  }
0x6e: {  	v5 =	vmul.f32 v4, v3;
	_ =	sdelay $0x1  }
0x6f: {  	v5 =	vmul.f32 v5, v4;
	_ =	sdelay $0x1  }
0x70: {  	v5 =	vsub.f32 $1.500000000e+00, v5;
	_ =	sdelay $0x1  }
0x71: {  	v4 =	vmul.f32 v5, v4;
	_ =	sdelay $0x1  }
0x72: {  	v3 =	vmul.f32 v4, v3;
	_ =	sdelay $0x1  }
0x73: {  	v3 =	vmul.f32 v3, v4;
	_ =	sdelay $0x1  }
0x74: {  	v3 =	vsub.f32 $1.500000000e+00, v3;
	_ =	sdelay $0x1  }
0x75: {  	v3 =	vmul.f32 v3, v4;
	_ =	sdelay $0x1  }
0x76: {  	v2 =	vmul.f32 v3, v2  }
0x77: {  	v1 =	vmul.f32 v3, v1  }
0x78: {  	s21 =	simm.s32 $0x4;
	s20 =	simm.s32 $0x3160;
	[tilespmem:s18+$0x10] =	vst v2  }
.LBB2_3:
0x79: {  	s21 =	sadd.s32 $0x4, s21;
	v2 =	vld [tilespmem:s20+$0xFFFFFFE0];
	[tilespmem:s19+$0x10] =	vst v1;
	s18 =	sadd.s32 $0x40, s18;
	s19 =	smov.u32 s20  }
0x7a: {  	p0 =	slt.u32 s21, $0x30C;
	_ =	sdelay $0x1  }
0x7b: {  	v1 =	vld [tilespmem:s18+$0xFFFFFFE0];
	_ =	sdelay $0x1  }
0x7c: {  	v3 =	vand.u32 $0x7FFFFFFF, v2  }
0x7d: {  	vm0 =	vlt.f32 v3, $9.999999930e-09  }
0x7e: {  	v2 =	vsel vm0, $0x322BCC77, v2  }
0x7f: {  	v3 =	vmul.f32 v1, v1;
	v4 =	vmul.f32 v2, v2;
	_ =	sdelay $0x1  }
0x80: {  	v3 =	vadd.f32 v4, v3;
	_ =	sdelay $0x1  }
0x81: {  	v4 =	vshra.s32 v3, $0x1;
	v3 =	vmul.f32 $5.000000000e-01, v3  }
0x82: {  	v4 =	vsub.s32 $0x5F3759DF, v4  }
0x83: {  	v5 =	vmul.f32 v4, v3;
	_ =	sdelay $0x1  }
0x84: {  	v5 =	vmul.f32 v4, v5;
	_ =	sdelay $0x1  }
0x85: {  	v5 =	vsub.f32 $1.500000000e+00, v5;
	_ =	sdelay $0x1  }
0x86: {  	v4 =	vmul.f32 v4, v5;
	_ =	sdelay $0x1  }
0x87: {  	v5 =	vmul.f32 v4, v3;
	_ =	sdelay $0x1  }
0x88: {  	v5 =	vmul.f32 v5, v4;
	_ =	sdelay $0x1  }
0x89: {  	v5 =	vsub.f32 $1.500000000e+00, v5;
	_ =	sdelay $0x1  }
0x8a: {  	v4 =	vmul.f32 v5, v4;
	_ =	sdelay $0x1  }
0x8b: {  	v3 =	vmul.f32 v4, v3;
	_ =	sdelay $0x1  }
0x8c: {  	v3 =	vmul.f32 v3, v4;
	_ =	sdelay $0x1  }
0x8d: {  	v3 =	vsub.f32 $1.500000000e+00, v3;
	_ =	sdelay $0x1  }
0x8e: {  	v3 =	vmul.f32 v3, v4;
	_ =	sdelay $0x1  }
0x8f: {  	v1 =	vmul.f32 v3, v1;
	v2 =	vmul.f32 v3, v2;
	_ =	sdelay $0x1  }
0x90: {  	[tilespmem:s18+$0xFFFFFFE0] =	vst v1  }
0x91: {  	v1 =	vld [tilespmem:s20+$0xFFFFFFF0];
	_ =	sdelay $0x1  }
0x92: {  	[tilespmem:s20+$0xFFFFFFE0] =	vst v2  }
0x93: {  	v2 =	vld [tilespmem:s18+$0xFFFFFFF0];
	_ =	sdelay $0x1  }
0x94: {  	v3 =	vand.u32 $0x7FFFFFFF, v1  }
0x95: {  	vm0 =	vlt.f32 v3, $9.999999930e-09  }
0x96: {  	v1 =	vsel vm0, $0x322BCC77, v1  }
0x97: {  	v3 =	vmul.f32 v2, v2;
	v4 =	vmul.f32 v1, v1;
	_ =	sdelay $0x1  }
0x98: {  	v3 =	vadd.f32 v4, v3;
	_ =	sdelay $0x1  }
0x99: {  	v4 =	vshra.s32 v3, $0x1;
	v3 =	vmul.f32 $5.000000000e-01, v3  }
0x9a: {  	v4 =	vsub.s32 $0x5F3759DF, v4  }
0x9b: {  	v5 =	vmul.f32 v4, v3;
	_ =	sdelay $0x1  }
0x9c: {  	v5 =	vmul.f32 v4, v5;
	_ =	sdelay $0x1  }
0x9d: {  	v5 =	vsub.f32 $1.500000000e+00, v5;
	_ =	sdelay $0x1  }
0x9e: {  	v4 =	vmul.f32 v4, v5;
	_ =	sdelay $0x1  }
0x9f: {  	v5 =	vmul.f32 v4, v3;
	_ =	sdelay $0x1  }
0xa0: {  	v5 =	vmul.f32 v5, v4;
	_ =	sdelay $0x1  }
0xa1: {  	v5 =	vsub.f32 $1.500000000e+00, v5;
	_ =	sdelay $0x1  }
0xa2: {  	v4 =	vmul.f32 v5, v4;
	_ =	sdelay $0x1  }
0xa3: {  	v3 =	vmul.f32 v4, v3;
	_ =	sdelay $0x1  }
0xa4: {  	v3 =	vmul.f32 v3, v4;
	_ =	sdelay $0x1  }
0xa5: {  	v3 =	vsub.f32 $1.500000000e+00, v3;
	_ =	sdelay $0x1  }
0xa6: {  	v3 =	vmul.f32 v3, v4;
	_ =	sdelay $0x1  }
0xa7: {  	v2 =	vmul.f32 v3, v2;
	v1 =	vmul.f32 v3, v1;
	_ =	sdelay $0x1  }
0xa8: {  	[tilespmem:s18+$0xFFFFFFF0] =	vst v2  }
0xa9: {  	[tilespmem:s20+$0xFFFFFFF0] =	vst v1;
	v1 =	vld [tilespmem:s20+$0x0];
	_ =	sdelay $0x2  }
0xaa: {  	v2 =	vld [tilespmem:s18+$0x0];
	_ =	sdelay $0x1  }
0xab: {  	v3 =	vand.u32 $0x7FFFFFFF, v1  }
0xac: {  	vm0 =	vlt.f32 v3, $9.999999930e-09  }
0xad: {  	v1 =	vsel vm0, $0x322BCC77, v1  }
0xae: {  	v3 =	vmul.f32 v2, v2;
	v4 =	vmul.f32 v1, v1;
	_ =	sdelay $0x1  }
0xaf: {  	v3 =	vadd.f32 v4, v3;
	_ =	sdelay $0x1  }
0xb0: {  	v4 =	vshra.s32 v3, $0x1;
	v3 =	vmul.f32 $5.000000000e-01, v3  }
0xb1: {  	v4 =	vsub.s32 $0x5F3759DF, v4  }
0xb2: {  	v5 =	vmul.f32 v4, v3;
	_ =	sdelay $0x1  }
0xb3: {  	v5 =	vmul.f32 v4, v5;
	_ =	sdelay $0x1  }
0xb4: {  	v5 =	vsub.f32 $1.500000000e+00, v5;
	_ =	sdelay $0x1  }
0xb5: {  	v4 =	vmul.f32 v4, v5;
	_ =	sdelay $0x1  }
0xb6: {  	v5 =	vmul.f32 v4, v3;
	_ =	sdelay $0x1  }
0xb7: {  	v5 =	vmul.f32 v5, v4;
	_ =	sdelay $0x1  }
0xb8: {  	v5 =	vsub.f32 $1.500000000e+00, v5;
	_ =	sdelay $0x1  }
0xb9: {  	v4 =	vmul.f32 v5, v4;
	_ =	sdelay $0x1  }
0xba: {  	v3 =	vmul.f32 v4, v3;
	_ =	sdelay $0x1  }
0xbb: {  	v3 =	vmul.f32 v3, v4;
	_ =	sdelay $0x1  }
0xbc: {  	v3 =	vsub.f32 $1.500000000e+00, v3;
	_ =	sdelay $0x1  }
0xbd: {  	v3 =	vmul.f32 v3, v4;
	_ =	sdelay $0x1  }
0xbe: {  	v2 =	vmul.f32 v3, v2;
	v1 =	vmul.f32 v3, v1;
	_ =	sdelay $0x1  }
0xbf: {  	[tilespmem:s18+$0x0] =	vst v2  }
0xc0: {  	[tilespmem:s20+$0x0] =	vst v1;
	v1 =	vld [tilespmem:s20+$0x10];
	_ =	sdelay $0x2  }
0xc1: {  	v2 =	vld [tilespmem:s18+$0x10];
	_ =	sdelay $0x1  }
0xc2: {  	v3 =	vand.u32 $0x7FFFFFFF, v1  }
0xc3: {  	vm0 =	vlt.f32 v3, $9.999999930e-09  }
0xc4: {  	v1 =	vsel vm0, $0x322BCC77, v1  }
0xc5: {  	v3 =	vmul.f32 v2, v2;
	v4 =	vmul.f32 v1, v1;
	_ =	sdelay $0x1  }
0xc6: {  	v3 =	vadd.f32 v4, v3;
	_ =	sdelay $0x1  }
0xc7: {  	v4 =	vshra.s32 v3, $0x1;
	v3 =	vmul.f32 $5.000000000e-01, v3  }
0xc8: {  	v4 =	vsub.s32 $0x5F3759DF, v4  }
0xc9: {  	v5 =	vmul.f32 v4, v3;
	_ =	sdelay $0x1  }
0xca: {  	v5 =	vmul.f32 v4, v5;
	_ =	sdelay $0x1  }
0xcb: {  	v5 =	vsub.f32 $1.500000000e+00, v5;
	_ =	sdelay $0x1  }
0xcc: {  	v4 =	vmul.f32 v4, v5;
	_ =	sdelay $0x1  }
0xcd: {  	v5 =	vmul.f32 v4, v3;
	_ =	sdelay $0x1  }
0xce: {  	v5 =	vmul.f32 v5, v4;
	_ =	sdelay $0x1  }
0xcf: {  	v5 =	vsub.f32 $1.500000000e+00, v5;
	_ =	sdelay $0x1  }
0xd0: {  	v4 =	vmul.f32 v5, v4;
	_ =	sdelay $0x1  }
0xd1: {  	v3 =	vmul.f32 v4, v3;
	_ =	sdelay $0x1  }
0xd2: {  	v3 =	vmul.f32 v3, v4;
	_ =	sdelay $0x1  }
0xd3: {  	v3 =	vsub.f32 $1.500000000e+00, v3;
	_ =	sdelay $0x1  }
.Ltmp0:
0xd4: {  	v3 =	vmul.f32 v3, v4;
	(pc) =	sbr.rel @p0 .LBB2_3-.Ltmp0, $3  }
0xd5: {  	_ = 	snop  }
0xd6: {  	v2 =	vmul.f32 v3, v2;
	v1 =	vmul.f32 v3, v1;
	_ =	sdelay $0x1  }
0xd7: {  	s20 =	sadd.s32 $0x40, s20;
	[tilespmem:s18+$0x10] =	vst v2  }
0xd8: {  	v2 =	vld [tilespmem:s20+$0xFFFFFFE0];
	_ =	sdelay $0x1  }
0xd9: {  	[tilespmem:s19+$0x10] =	vst v1;
	s18 =	sadd.s32 $0x40, s18  }
0xda: {  	v1 =	vld [tilespmem:s18+$0xFFFFFFE0];
	_ =	sdelay $0x1  }
0xdb: {  	v3 =	vand.u32 $0x7FFFFFFF, v2  }
0xdc: {  	vm0 =	vlt.f32 v3, $9.999999930e-09  }
0xdd: {  	v2 =	vsel vm0, $0x322BCC77, v2  }
0xde: {  	v3 =	vmul.f32 v1, v1;
	v4 =	vmul.f32 v2, v2;
	_ =	sdelay $0x1  }
0xdf: {  	v3 =	vadd.f32 v4, v3;
	_ =	sdelay $0x1  }
0xe0: {  	v4 =	vshra.s32 v3, $0x1;
	v3 =	vmul.f32 $5.000000000e-01, v3  }
0xe1: {  	v4 =	vsub.s32 $0x5F3759DF, v4  }
0xe2: {  	v5 =	vmul.f32 v4, v3;
	_ =	sdelay $0x1  }
0xe3: {  	v5 =	vmul.f32 v4, v5;
	_ =	sdelay $0x1  }
0xe4: {  	v5 =	vsub.f32 $1.500000000e+00, v5;
	_ =	sdelay $0x1  }
0xe5: {  	v4 =	vmul.f32 v4, v5;
	_ =	sdelay $0x1  }
0xe6: {  	v5 =	vmul.f32 v4, v3;
	_ =	sdelay $0x1  }
0xe7: {  	v5 =	vmul.f32 v5, v4;
	_ =	sdelay $0x1  }
0xe8: {  	v5 =	vsub.f32 $1.500000000e+00, v5;
	_ =	sdelay $0x1  }
0xe9: {  	v4 =	vmul.f32 v5, v4;
	_ =	sdelay $0x1  }
0xea: {  	v3 =	vmul.f32 v4, v3;
	_ =	sdelay $0x1  }
0xeb: {  	v3 =	vmul.f32 v3, v4;
	_ =	sdelay $0x1  }
0xec: {  	v3 =	vsub.f32 $1.500000000e+00, v3;
	_ =	sdelay $0x1  }
0xed: {  	v3 =	vmul.f32 v3, v4;
	_ =	sdelay $0x1  }
0xee: {  	v1 =	vmul.f32 v3, v1;
	_ =	sdelay $0x1  }
0xef: {  	[tilespmem:s18+$0xFFFFFFE0] =	vst v1  }
0xf0: {  	v1 =	vmul.f32 v3, v2;
	v2 =	vld [tilespmem:s20+$0xFFFFFFF0];
	_ =	sdelay $0x1  }
0xf1: {  	[tilespmem:s20+$0xFFFFFFE0] =	vst v1  }
0xf2: {  	v1 =	vld [tilespmem:s18+$0xFFFFFFF0];
	_ =	sdelay $0x1  }
0xf3: {  	v3 =	vand.u32 $0x7FFFFFFF, v2  }
0xf4: {  	vm13 =	vlt.f32 v3, $9.999999930e-09  }
0xf5: {  	v2 =	vsel vm13, $0x322BCC77, v2  }
0xf6: {  	v3 =	vmul.f32 v1, v1;
	v58 =	vmul.f32 v2, v2;
	_ =	sdelay $0x1  }
0xf7: {  	v3 =	vadd.f32 v58, v3;
	_ =	sdelay $0x1  }
0xf8: {  	v4 =	vshra.s32 v3, $0x1;
	v3 =	vmul.f32 $5.000000000e-01, v3  }
0xf9: {  	v4 =	vsub.s32 $0x5F3759DF, v4  }
0xfa: {  	v59 =	vmul.f32 v4, v3;
	_ =	sdelay $0x1  }
0xfb: {  	v5 =	vmul.f32 v4, v59;
	_ =	sdelay $0x1  }
0xfc: {  	v5 =	vsub.f32 $1.500000000e+00, v5;
	_ =	sdelay $0x1  }
0xfd: {  	v4 =	vmul.f32 v4, v5;
	_ =	sdelay $0x1  }
0xfe: {  	v5 =	vmul.f32 v4, v3;
	_ =	sdelay $0x1  }
0xff: {  	v5 =	vmul.f32 v5, v4;
	_ =	sdelay $0x1  }
0x100: {  	v5 =	vsub.f32 $1.500000000e+00, v5;
	_ =	sdelay $0x1  }
0x101: {  	v4 =	vmul.f32 v5, v4;
	_ =	sdelay $0x1  }
0x102: {  	v3 =	vmul.f32 v4, v3;
	_ =	sdelay $0x1  }
0x103: {  	v3 =	vmul.f32 v3, v4;
	_ =	sdelay $0x1  }
0x104: {  	v3 =	vsub.f32 $1.500000000e+00, v3;
	_ =	sdelay $0x1  }
0x105: {  	v3 =	vmul.f32 v3, v4;
	_ =	sdelay $0x1  }
0x106: {  	v1 =	vmul.f32 v3, v1;
	_ =	sdelay $0x1  }
0x107: {  	[tilespmem:s18+$0xFFFFFFF0] =	vst v1  }
0x108: {  	v2 =	vmul.f32 v3, v2;
	v1 =	vld [tilespmem:s20+$0x0];
	_ =	sdelay $0x1  }
0x109: {  	[tilespmem:s20+$0xFFFFFFF0] =	vst v2  }
0x10a: {  	v2 =	vld [tilespmem:s18+$0x0];
	_ =	sdelay $0x1  }
0x10b: {  	v3 =	vand.u32 $0x7FFFFFFF, v1  }
0x10c: {  	vm14 =	vlt.f32 v3, $9.999999930e-09  }
0x10d: {  	v1 =	vsel vm14, $0x322BCC77, v1  }
0x10e: {  	v3 =	vmul.f32 v2, v2;
	v60 =	vmul.f32 v1, v1;
	_ =	sdelay $0x1  }
0x10f: {  	v3 =	vadd.f32 v60, v3;
	_ =	sdelay $0x1  }
0x110: {  	v4 =	vshra.s32 v3, $0x1;
	v3 =	vmul.f32 $5.000000000e-01, v3  }
0x111: {  	v4 =	vsub.s32 $0x5F3759DF, v4  }
0x112: {  	v61 =	vmul.f32 v4, v3;
	_ =	sdelay $0x1  }
0x113: {  	v5 =	vmul.f32 v4, v61;
	_ =	sdelay $0x1  }
0x114: {  	v5 =	vsub.f32 $1.500000000e+00, v5;
	_ =	sdelay $0x1  }
0x115: {  	v4 =	vmul.f32 v4, v5;
	_ =	sdelay $0x1  }
0x116: {  	v5 =	vmul.f32 v4, v3;
	_ =	sdelay $0x1  }
0x117: {  	v5 =	vmul.f32 v5, v4;
	_ =	sdelay $0x1  }
0x118: {  	v5 =	vsub.f32 $1.500000000e+00, v5;
	_ =	sdelay $0x1  }
0x119: {  	v4 =	vmul.f32 v5, v4;
	_ =	sdelay $0x1  }
0x11a: {  	v3 =	vmul.f32 v4, v3;
	_ =	sdelay $0x1  }
0x11b: {  	v3 =	vmul.f32 v3, v4;
	_ =	sdelay $0x1  }
0x11c: {  	v3 =	vsub.f32 $1.500000000e+00, v3;
	_ =	sdelay $0x1  }
0x11d: {  	v3 =	vmul.f32 v3, v4;
	_ =	sdelay $0x1  }
0x11e: {  	v2 =	vmul.f32 v3, v2  }
0x11f: {  	v1 =	vmul.f32 v3, v1  }
0x120: {  	[tilespmem:s18+$0x0] =	vst v2  }
0x121: {  	[tilespmem:s20+$0x0] =	vst v1;
	v1 =	vld [tilespmem:s20+$0x10];
	_ =	sdelay $0x2  }
0x122: {  	v2 =	vld [tilespmem:s18+$0x10];
	_ =	sdelay $0x1  }
0x123: {  	v3 =	vand.u32 $0x7FFFFFFF, v1  }
0x124: {  	vm15 =	vlt.f32 v3, $9.999999930e-09  }
0x125: {  	v1 =	vsel vm15, $0x322BCC77, v1  }
0x126: {  	v3 =	vmul.f32 v2, v2;
	v62 =	vmul.f32 v1, v1;
	_ =	sdelay $0x1  }
0x127: {  	v3 =	vadd.f32 v62, v3;
	_ =	sdelay $0x1  }
0x128: {  	v4 =	vshra.s32 v3, $0x1;
	v3 =	vmul.f32 $5.000000000e-01, v3  }
0x129: {  	v4 =	vsub.s32 $0x5F3759DF, v4  }
0x12a: {  	v63 =	vmul.f32 v4, v3;
	_ =	sdelay $0x1  }
0x12b: {  	v5 =	vmul.f32 v4, v63;
	_ =	sdelay $0x1  }
0x12c: {  	v5 =	vsub.f32 $1.500000000e+00, v5;
	_ =	sdelay $0x1  }
0x12d: {  	v4 =	vmul.f32 v4, v5;
	_ =	sdelay $0x1  }
0x12e: {  	v5 =	vmul.f32 v4, v3;
	_ =	sdelay $0x1  }
0x12f: {  	v5 =	vmul.f32 v5, v4;
	_ =	sdelay $0x1  }
0x130: {  	v5 =	vsub.f32 $1.500000000e+00, v5;
	_ =	sdelay $0x1  }
0x131: {  	v4 =	vmul.f32 v5, v4;
	_ =	sdelay $0x1  }
0x132: {  	v3 =	vmul.f32 v4, v3;
	_ =	sdelay $0x1  }
0x133: {  	v3 =	vmul.f32 v3, v4;
	_ =	sdelay $0x1  }
0x134: {  	v3 =	vsub.f32 $1.500000000e+00, v3;
	_ =	sdelay $0x1  }
0x135: {  	v3 =	vmul.f32 v3, v4;
	_ =	sdelay $0x1  }
0x136: {  	v2 =	vmul.f32 v3, v2  }
0x137: {  	v1 =	vmul.f32 v3, v1  }
0x138: {  	[tilespmem:s18+$0x10] =	vst v2  }
0x139: {  	s17 =	smul.u32 $0xC400, s17;
	s19 =	simm.s32 $0x0;
	s18 =	simm.s32 $0x0;
	[tilespmem:s20+$0x10] =	vst v1  }
.LBB2_5:
0x13a: {  	v1 =	vmov s18  }
0x13b: {  	v2 =	vshrl.u32 v1, $0x5  }
0x13c: {  	v1 =	vshrl.u32 v1, $0x6;
	v2 =	vmul.u32 $0x2493, v2  }
0x13d: {  	s20 =	smul.u32 $0x1880, s19;
	v1 =	vmul.u32 $0x2493, v1  }
0x13e: {  	v2 =	vshrl.u32 v2, $0x10  }
0x13f: {  	v3 =	vor.u32 s18, v0;
	s20 =	sadd.s32 s17, s20;
	v1 =	vshrl.u32 v1, $0x10;
	v2 =	vmul.u32 $0xFFFFFF90, v2  }
0x140: {  	v3 =	vshrl.u32 v3, $0x1;
	s20 =	sshrl.u32 s20, $0x3;
	v1 =	vmul.u32 $0x70, v1  }
0x141: {  	s26 =	sadd.s32 $0x30, s18;
	s23 =	sadd.s32 $0x10, s18;
	s21 =	sadd.s32 s3, s20;
	v2 =	vadd.s32 v3, v2  }
0x142: {  	[tilespmem:s12], [sflag:$0x1] =	stream.linear.gather [hbm4b:s21+s7], $0x1880, $0x38;
	v1 =	vadd.s32 v1, v2;
	[tilespmem:$0xAB80] =	vst v63  }
0x143: {  	v4 =	vmov s23;
	v6 =	vor.u32 s26, v0;
	_ =	swait.ge [sflag:s10], $0x1880  }
0x144: {  	v5 =	vshrl.u32 v4, $0x5;
	v4 =	vshrl.u32 v4, $0x6;
	v3 =	vmov s26;
	[sflag:s10] =	ssyncset.done $0x0  }
0x145: {  	s22 =	simm.s32 $0x6220;
	v5 =	vmul.u32 $0x2493, v5;
	v4 =	vmul.u32 $0x2493, v4;
	v2 =	vshrl.u32 v3, $0x5;
	[sflag:s10] =	ssyncadd.s32 $0xFFFFE780  }
0x146: {  	v9 =	vor.u32 s23, v0;
	v6 =	vshrl.u32 v6, $0x1;
	v2 =	vmul.u32 $0x2493, v2;
	v7 =	vld [tilespmem:s22+$0xFFFFFFE0]  }
0x147: {  	v5 =	vshrl.u32 v5, $0x10;
	v4 =	vshrl.u32 v4, $0x10;
	v3 =	vshrl.u32 v3, $0x6;
	v8 =	vld.idx.msk [tilespmem:v1+s7+$0x0], $0xffff  }
0x148: {  	v5 =	vmul.u32 $0xFFFFFF90, v5;
	v3 =	vmul.u32 $0x2493, v3;
	v2 =	vshrl.u32 v2, $0x10;
	v10 =	vld.idx.msk [tilespmem:v1+s11+$0x0], $0xffff  }
0x149: {  	s31 =	sadd.s32 $0x20, s18;
	v9 =	vshrl.u32 v9, $0x1;
	v4 =	vmul.u32 $0x70, v4;
	v2 =	vmul.u32 $0xFFFFFF90, v2  }
0x14a: {  	s23 =	sadd.s32 $0x40, s18;
	v1 =	vshrl.u32 v3, $0x10;
	v3 =	vadd.s32 v9, v5;
	v5 =	vor.u32 s31, v0  }
0x14b: {  	v9 =	vmov s23;
	v4 =	vadd.s32 v4, v3;
	v3 =	vmov s31  }
0x14c: {  	v2 =	vadd.s32 v6, v2;
	v6 =	vmul.f32 v7, v8;
	v8 =	vshrl.u32 v3, $0x6  }
0x14d: {  	s24 =	simm.s32 $0x7AA0;
	v3 =	vshrl.u32 v3, $0x5;
	v7 =	vmul.f32 v7, v10;
	v8 =	vmul.u32 $0x2493, v8  }
0x14e: {  	s25 =	simm.s32 $0x9320;
	v10 =	vmul.u32 $0x2493, v3;
	v3 =	vshrl.u32 v9, $0x6;
	v9 =	vshrl.u32 v9, $0x5;
	[tilespmem:s24+$0xFFFFFFE0] =	vst v6  }
0x14f: {  	v12 =	vshrl.u32 v5, $0x1;
	v9 =	vmul.u32 $0x2493, v9;
	v5 =	vshrl.u32 v8, $0x10;
	[tilespmem:s25+$0xFFFFFFE0] =	vst v7  }
0x150: {  	s30 =	sadd.s32 $0x30, s23;
	v11 =	vmul.u32 $0x2493, v3;
	v6 =	vshrl.u32 v10, $0x10;
	v7 =	vmul.u32 $0x70, v5;
	v5 =	vld.idx.msk [tilespmem:v4+s11+$0x0], $0xffff  }
0x151: {  	v3 =	vmov s30;
	v9 =	vshrl.u32 v9, $0x10;
	v13 =	vmul.u32 $0xFFFFFF90, v6;
	v6 =	vld.idx.msk [tilespmem:v4+s7+$0x0], $0xffff  }
0x152: {  	v10 =	vor.u32 s23, v0;
	v8 =	vshrl.u32 v11, $0x10;
	v11 =	vmul.u32 $0xFFFFFF90, v9;
	v9 =	vld [tilespmem:s22+$0xFFFFFFF0]  }
0x153: {  	s29 =	simm.s32 $0x4;
	v14 =	vshrl.u32 v3, $0x5;
	v4 =	vshrl.u32 v10, $0x1;
	v8 =	vmul.u32 $0x70, v8  }
0x154: {  	s28 =	simm.s32 $0x6220;
	s21 =	simm.s32 $0x9360;
	s26 =	simm.s32 $0x7AA0;
	v10 =	vadd.s32 v4, v11;
	v4 =	vmul.u32 $0x2493, v14;
	v11 =	vadd.s32 v12, v13  }
.LBB2_6:
0x155: {  	s29 =	sadd.s32 $0x4, s29;
	v8 =	vadd.s32 v8, v10;
	v3 =	vshrl.u32 v3, $0x6;
	v7 =	vadd.s32 v7, v11;
	s22 =	sadd.s32 $0x40, s22;
	s24 =	sadd.s32 $0x40, s24  }
0x156: {  	v10 =	vor.u32 s30, v0;
	p0 =	slt.u32 s29, $0x184;
	v3 =	vmul.u32 $0x2493, v3;
	v4 =	vshrl.u32 v4, $0x10  }
0x157: {  	v4 =	vmul.u32 $0xFFFFFF90, v4;
	v6 =	vmul.f32 v9, v6;
	v5 =	vmul.f32 v9, v5  }
0x158: {  	v9 =	vshrl.u32 v10, $0x1;
	v3 =	vshrl.u32 v3, $0x10  }
0x159: {  	v4 =	vadd.s32 v9, v4;
	[tilespmem:s26+$0xFFFFFFF0] =	vst v6  }
0x15a: {  	[tilespmem:s25+$0xFFFFFFF0] =	vst v5  }
0x15b: {  	v5 =	vld.idx.msk [tilespmem:v7+s11+$0x0], $0xffff  }
0x15c: {  	v6 =	vld.idx.msk [tilespmem:v7+s7+$0x0], $0xffff  }
0x15d: {  	v7 =	vld [tilespmem:s28+$0x0];
	_ =	sdelay $0x1  }
0x15e: {  	v9 =	vmul.u32 $0x70, v1;
	v1 =	vmov v3;
	_ =	sdelay $0x1  }
0x15f: {  	v3 =	vadd.s32 v9, v2;
	v2 =	vmov v4  }
0x160: {  	v4 =	vmul.f32 v7, v6;
	v5 =	vmul.f32 v7, v5;
	_ =	sdelay $0x1  }
0x161: {  	[tilespmem:s26+$0x0] =	vst v4  }
0x162: {  	[tilespmem:s25+$0x0] =	vst v5  }
0x163: {  	v4 =	vld.idx.msk [tilespmem:v3+s7+$0x0], $0xffff  }
0x164: {  	v5 =	vld [tilespmem:s28+$0x10];
	s28 =	smov.u32 s22  }
0x165: {  	v3 =	vld.idx.msk [tilespmem:v3+s11+$0x0], $0xffff;
	_ =	sdelay $0x2  }
0x166: {  	s30 =	sadd.s32 $0x10, s23  }
0x167: {  	v6 =	vmov s30;
	v7 =	vor.u32 s30, v0;
	v4 =	vmul.f32 v5, v4  }
0x168: {  	v9 =	vshrl.u32 v6, $0x6;
	v6 =	vshrl.u32 v6, $0x5  }
0x169: {  	v9 =	vmul.u32 $0x2493, v9;
	v6 =	vmul.u32 $0x2493, v6;
	v3 =	vmul.f32 v5, v3;
	[tilespmem:s26+$0x10] =	vst v4;
	s26 =	smov.u32 s24;
	_ =	sdelay $0x1  }
0x16a: {  	v5 =	vshrl.u32 v6, $0x10;
	v4 =	vshrl.u32 v9, $0x10;
	[tilespmem:s25+$0x10] =	vst v3;
	s25 =	smov.u32 s21  }
0x16b: {  	v5 =	vmul.u32 $0xFFFFFF90, v5;
	v3 =	vld [tilespmem:s22+$0xFFFFFFE0]  }
0x16c: {  	v7 =	vshrl.u32 v7, $0x1;
	v4 =	vmul.u32 $0x70, v4;
	v6 =	vld.idx.msk [tilespmem:v8+s7+$0x0], $0xffff  }
0x16d: {  	v5 =	vadd.s32 v7, v5;
	v8 =	vld.idx.msk [tilespmem:v8+s11+$0x0], $0xffff  }
0x16e: {  	v4 =	vadd.s32 v4, v5;
	_ =	sdelay $0x1  }
0x16f: {  	s30 =	sadd.s32 $0x20, s23  }
0x170: {  	v7 =	vor.u32 s30, v0;
	v5 =	vmov s30  }
0x171: {  	s23 =	sadd.s32 $0x40, s23;
	v9 =	vshrl.u32 v5, $0x6;
	v5 =	vshrl.u32 v5, $0x5;
	v6 =	vmul.f32 v3, v6  }
0x172: {  	v10 =	vmov s23;
	s30 =	sadd.s32 $0x30, s23;
	v3 =	vmul.f32 v3, v8;
	v8 =	vmul.u32 $0x2493, v5  }
0x173: {  	v5 =	vshrl.u32 v10, $0x6;
	v10 =	vshrl.u32 v10, $0x5;
	[tilespmem:s24+$0xFFFFFFE0] =	vst v6;
	v6 =	vmul.u32 $0x2493, v9  }
0x174: {  	v11 =	vshrl.u32 v7, $0x1;
	v10 =	vmul.u32 $0x2493, v10;
	v9 =	vmul.u32 $0x2493, v5;
	[tilespmem:s21+$0xFFFFFFE0] =	vst v3  }
.Ltmp1:
0x175: {  	v8 =	vshrl.u32 v8, $0x10;
	v3 =	vmov s30;
	v5 =	vld.idx.msk [tilespmem:v4+s11+$0x0], $0xffff;
	v7 =	vshrl.u32 v6, $0x10;
	(pc) =	sbr.rel @p0 .LBB2_6-.Ltmp1, $4  }
0x176: {  	v12 =	vshrl.u32 v9, $0x10;
	v9 =	vshrl.u32 v10, $0x10;
	v6 =	vld.idx.msk [tilespmem:v4+s7+$0x0], $0xffff;
	v7 =	vmul.u32 $0x70, v7  }
0x177: {  	v13 =	vmul.u32 $0xFFFFFF90, v8;
	v4 =	vor.u32 s23, v0;
	v10 =	vmul.u32 $0xFFFFFF90, v9;
	v9 =	vld [tilespmem:s22+$0xFFFFFFF0]  }
0x178: {  	v8 =	vmul.u32 $0x70, v12;
	v12 =	vshrl.u32 v3, $0x5;
	v4 =	vshrl.u32 v4, $0x1  }
0x179: {  	s21 =	sadd.s32 $0x40, s21;
	v11 =	vadd.s32 v11, v13;
	v10 =	vadd.s32 v4, v10;
	v4 =	vmul.u32 $0x2493, v12  }
0x17a: {  	_ = 	snop  }
0x17b: {  	v7 =	vadd.s32 v7, v11  }
0x17c: {  	v6 =	vmul.f32 v9, v6  }
0x17d: {  	v5 =	vmul.f32 v9, v5  }
0x17e: {  	[tilespmem:s26+$0xFFFFFFF0] =	vst v6  }
0x17f: {  	[tilespmem:s25+$0xFFFFFFF0] =	vst v5  }
0x180: {  	v5 =	vld.idx.msk [tilespmem:v7+s7+$0x0], $0xffff  }
0x181: {  	v6 =	vld [tilespmem:s28+$0x0]  }
0x182: {  	v7 =	vld.idx.msk [tilespmem:v7+s11+$0x0], $0xffff  }
0x183: {  	v1 =	vmul.u32 $0x70, v1;
	_ =	sdelay $0x1  }
0x184: {  	v1 =	vadd.s32 v1, v2  }
0x185: {  	v2 =	vmul.f32 v6, v5  }
0x186: {  	v50 =	vmul.f32 v6, v7  }
0x187: {  	[tilespmem:s26+$0x0] =	vst v2  }
0x188: {  	[tilespmem:s25+$0x0] =	vst v50  }
0x189: {  	v2 =	vld.idx.msk [tilespmem:v1+s7+$0x0], $0xffff  }
0x18a: {  	v5 =	vld [tilespmem:s28+$0x10]  }
0x18b: {  	v1 =	vld.idx.msk [tilespmem:v1+s11+$0x0], $0xffff;
	_ =	sdelay $0x3  }
0x18c: {  	v51 =	vadd.s32 v8, v10;
	s31 =	sadd.s32 $0x10, s23;
	v2 =	vmul.f32 v5, v2  }
0x18d: {  	v52 =	vmov s31;
	v1 =	vmul.f32 v5, v1  }
0x18e: {  	v53 =	vshrl.u32 v52, $0x5;
	[tilespmem:s26+$0x10] =	vst v2  }
0x18f: {  	s22 =	sadd.s32 $0x40, s22;
	v5 =	vmul.u32 $0x2493, v53;
	v2 =	vshrl.u32 v52, $0x6;
	[tilespmem:s25+$0x10] =	vst v1  }
0x190: {  	v1 =	vmul.u32 $0x2493, v2;
	v2 =	vld [tilespmem:s22+$0xFFFFFFE0]  }
0x191: {  	v5 =	vshrl.u32 v5, $0x10;
	v54 =	vld.idx.msk [tilespmem:v51+s7+$0x0], $0xffff  }
0x192: {  	v55 =	vor.u32 s31, v0;
	v5 =	vmul.u32 $0xFFFFFF90, v5;
	v6 =	vld.idx.msk [tilespmem:v51+s11+$0x0], $0xffff;
	v1 =	vshrl.u32 v1, $0x10  }
0x193: {  	v8 =	vshrl.u32 v55, $0x1;
	v1 =	vmul.u32 $0x70, v1  }
0x194: {  	v5 =	vadd.s32 v8, v5  }
0x195: {  	v1 =	vadd.s32 v1, v5  }
0x196: {  	s29 =	sadd.s32 $0x20, s23;
	v56 =	vmul.f32 v2, v54  }
0x197: {  	s24 =	sadd.s32 $0x40, s24;
	v57 =	vmov s29;
	v2 =	vmul.f32 v2, v6  }
0x198: {  	v58 =	vshrl.u32 v57, $0x5;
	[tilespmem:s24+$0xFFFFFFE0] =	vst v56  }
0x199: {  	v59 =	vshrl.u32 v57, $0x6;
	v6 =	vmul.u32 $0x2493, v58;
	[tilespmem:s21+$0xFFFFFFE0] =	vst v2  }
0x19a: {  	v2 =	vmul.u32 $0x2493, v59;
	v60 =	vld.idx.msk [tilespmem:v1+s7+$0x0], $0xffff  }
0x19b: {  	v6 =	vshrl.u32 v6, $0x10;
	v61 =	vld [tilespmem:s22+$0xFFFFFFF0]  }
0x19c: {  	v62 =	vor.u32 s29, v0;
	v6 =	vmul.u32 $0xFFFFFF90, v6;
	v1 =	vld.idx.msk [tilespmem:v1+s11+$0x0], $0xffff;
	v2 =	vshrl.u32 v2, $0x10  }
0x19d: {  	v8 =	vshrl.u32 v62, $0x1;
	v2 =	vmul.u32 $0x70, v2  }
0x19e: {  	v6 =	vadd.s32 v8, v6  }
0x19f: {  	v2 =	vadd.s32 v2, v6  }
0x1a0: {  	v5 =	vmul.f32 v61, v60  }
0x1a1: {  	v1 =	vmul.f32 v61, v1  }
0x1a2: {  	[tilespmem:s24+$0xFFFFFFF0] =	vst v5  }
0x1a3: {  	v3 =	vshrl.u32 v3, $0x6;
	[tilespmem:s21+$0xFFFFFFF0] =	vst v1  }
0x1a4: {  	v1 =	vmul.u32 $0x2493, v3;
	v3 =	vld.idx.msk [tilespmem:v2+s7+$0x0], $0xffff  }
0x1a5: {  	v4 =	vshrl.u32 v4, $0x10;
	v5 =	vld [tilespmem:s22+$0x0]  }
0x1a6: {  	v63 =	vor.u32 s30, v0;
	v4 =	vmul.u32 $0xFFFFFF90, v4;
	v2 =	vld.idx.msk [tilespmem:v2+s11+$0x0], $0xffff;
	v1 =	vshrl.u32 v1, $0x10  }
0x1a7: {  	v6 =	vshrl.u32 v63, $0x1;
	v1 =	vmul.u32 $0x70, v1  }
0x1a8: {  	v4 =	vadd.s32 v6, v4  }
0x1a9: {  	v1 =	vadd.s32 v1, v4  }
0x1aa: {  	v3 =	vmul.f32 v5, v3  }
0x1ab: {  	v2 =	vmul.f32 v5, v2  }
0x1ac: {  	[tilespmem:s24+$0x0] =	vst v3  }
0x1ad: {  	[tilespmem:s21+$0x0] =	vst v2  }
0x1ae: {  	v2 =	vld.idx.msk [tilespmem:v1+s7+$0x0], $0xffff  }
0x1af: {  	v3 =	vld [tilespmem:s22+$0x10]  }
0x1b0: {  	v1 =	vld.idx.msk [tilespmem:v1+s11+$0x0], $0xffff;
	_ =	sdelay $0x3  }
0x1b1: {  	v2 =	vmul.f32 v3, v2  }
0x1b2: {  	v1 =	vmul.f32 v3, v1  }
0x1b3: {  	[tilespmem:s24+$0x10] =	vst v2  }
0x1b4: {  	s30 =	sadd.s32 s4, s20;
	[tilespmem:s21+$0x10] =	vst v1  }
0x1b5: {  	[hbm4b:s30+s7] =	stream.linear.scatter [tilespmem:s13], [sflag:$0x1], $0x1880, $0x38;
	[tilespmem:$0xAB80] =	vst v63  }
0x1b6: {  	s19 =	sadd.s32 $0x1, s19;
	_ =	swait.ge [sflag:s10], $0x1880  }
0x1b7: {  	p0 =	sne.s32 s19, $0x8;
	[sflag:s10] =	ssyncset.done $0x0  }
.Ltmp2:
0x1b8: {  	s31 =	sadd.s32 s6, s20;
	[sflag:s10] =	ssyncadd.s32 $0xFFFFE780;
	(pc) =	sbr.rel @p0 .LBB2_5-.Ltmp2, $4  }
0x1b9: {  	[hbm4b:s31+s7] =	stream.linear.scatter [tilespmem:s14], [sflag:$0x1], $0x1880, $0x38;
	[tilespmem:$0xAB80] =	vst v63  }
0x1ba: {  	_ =	swait.ge [sflag:s10], $0x1880  }
0x1bb: {  	[sflag:s10] =	ssyncset.done $0x0  }
0x1bc: {  	s18 =	sadd.s32 $0x1880, s18;
	[sflag:s10] =	ssyncadd.s32 $0xFFFFE780  }
0x1bd: {  	s16 =	sadd.s32 $0x1, s16  }
0x1be: {  	p0 =	sne.s32 s16, $0xC  }
.Ltmp3:
0x1bf: {  	_ = 	snop;
	(pc) =	sbr.rel @p0 .LBB2_2-.Ltmp3, $1  }
0x1c0: {  	_ =	sdelay $0x3  }
0x1c1: {  	s15 =	sadd.s32 $0x1, s15  }
0x1c2: {  	p0 =	sne.s32 s15, s9  }
.Ltmp4:
0x1c3: {  	_ = 	snop;
	(pc) =	sbr.rel @p0 .LBB2_1-.Ltmp4, $1  }
0x1c4: {  	_ =	sdelay $0x3  }
0x1c5: {  	_ =	sfence.sel $0x180000  }
0x1c6: {  	[bflag:$0x0] =	sbarrier.arrive $0xFFFF  }
0x1c7: {  	p0 =	sne.s32 s5, $0x0;
	_ =	strace $0x90000047  }
0x1c8: {  	s0 =	sadd.s32 @!p0 $0x100000, s1;
	[bflag:$0x2] =	sbarrier.arrive $0xFFFF  }
0x1c9: {  	[sflag:s0] =	ssyncadd.tile.s32 @!p0 $0x1;
	_ =	shalt  }
.Lfunc_end2:
_tile_overlayer_lowered:
.L_overlay_start_2:
0x1ca: {  	(tag) =	ssettag $0x2  }
0x1cb: {  	s0 =	rddreg [dreg:$0x0];
	s2 =	stileid.u32  }
0x1cc: {  	s1 =	rddreg [dreg:$0x1];
	p0 =	sne.s32 s2, $0x0  }
0x1cd: {  	s3 =	rddreg [dreg:$0x2];
	[bflag:$0x3] =	sbarrier.arrive $0xFFFF;
	s2 =	simm.s32 @!p0 $0x1C01  }
0x1ce: {  	[timem:s3], [sflag:s2] =	dma.local @!p0 [hbm:s0], s1  }
0x1cf: {  	s0 =	simm.s32 @!p0 $0x1  }
0x1d0: {  	_ =	swait.ge @!p0 [sflag:s0], s1  }
0x1d1: {  	s1 =	ssub.s32 @!p0 $0x0, s1;
	[sflag:s0] =	ssyncset.done @!p0 $0x0  }
0x1d2: {  	[sflag:s0] =	ssyncadd.s32 @!p0 s1  }
0x1d3: {  	[bflag:$0x3] =	sbarrier.arrive $0xFFFF  }
0x1d4: {  	_ =	shalt  }

</sc_bundles>
